<compile_context>
chip_gen: v7x
topology: tpu7x:2x2x1
jax: 0.10.2.dev20260603
libtpu: 0.0.44.dev20260713+nightly
codegen_flags: <defaults>
</compile_context>

<pallas_src>
import functools

import jax
import jax.numpy as jnp
from jax import lax
from jax.experimental import pallas as pl
from jax.experimental.pallas import tpu as pltpu
from jax.experimental.pallas import tpu_sc as plsc

_NC = 2
_NS = 16
_NW = _NC * _NS
_L = 16
_NBUF = 2


def _emb_kernel(n_total, vocab, d, chunk, ids_hbm, table_hbm, out_hbm,
                idx_v, rows_v, gsems):
    wid = lax.axis_index("s") * _NC + lax.axis_index("c")
    per_w = n_total // _NW
    base = wid * per_w
    n_ch = per_w // chunk

    def stage_and_fire(j, b):
        off = base + j * chunk
        pltpu.sync_copy(ids_hbm.at[pl.ds(off, chunk)], idx_v.at[b])

        def clamp_body(i, _):
            v = idx_v[b, pl.ds(i * _L, _L)]
            idx_v[b, pl.ds(i * _L, _L)] = jnp.where(v >= vocab, 0, v)
            return 0

        lax.fori_loop(0, chunk // _L, clamp_body, 0, unroll=4)
        pltpu.async_copy(table_hbm.at[idx_v.at[b]], rows_v.at[b], gsems[b])

    for b in range(_NBUF):
        stage_and_fire(b, b)

    def outer(k, _):
        j0 = k * _NBUF
        for b in range(_NBUF):
            j = j0 + b
            pltpu.make_async_copy(table_hbm.at[idx_v.at[b]], rows_v.at[b],
                                  gsems[b]).wait()
            pltpu.sync_copy(rows_v.at[b], out_hbm.at[pl.ds(base + j * chunk,
                                                           chunk)])
            nj = j + _NBUF

            @pl.when(nj < n_ch)
            def _():
                stage_and_fire(nj, b)

        return 0

    lax.fori_loop(0, n_ch // _NBUF, outer, 0)


def kernel(input_ids, table):
    b, s = input_ids.shape
    v, d = table.shape
    n = b * s
    ids = input_ids.reshape(n)

    chunk = 800
    assert n % (_NW * chunk * _NBUF) == 0

    mesh = plsc.VectorSubcoreMesh(core_axis_name="c", subcore_axis_name="s",
                                  num_cores=_NC, num_subcores=_NS)
    run = pl.kernel(
        functools.partial(_emb_kernel, n, v, d, chunk),
        out_type=jax.ShapeDtypeStruct((n, d), jnp.float32),
        mesh=mesh,
        scratch_types=[
            pltpu.VMEM((_NBUF, chunk), jnp.int32),
            pltpu.VMEM((_NBUF, chunk, d), jnp.float32),
            [pltpu.SemaphoreType.DMA] * _NBUF,
        ],
        compiler_params=pltpu.CompilerParams(use_tc_tiling_on_sc=False),
    )
    out = run(ids, table)
    return out.reshape(b, s, d)

# --- scband reference (transcript-rebuilt; emitter-appended) ---
"""Pipeline reference for scband-embedding-layer-with-fixes-283467841964 (READ-ONLY COPY).

The authoritative reference and input builder live on the scoring server;
editing this copy changes nothing except your own understanding.
"""

import jax, jax.numpy as jnp
import numpy as np

VOCAB = 1000000
EMBED_DIM = 64
BATCH = 16384
SEQ = 50


def setup_inputs(seed: int = 0) -> dict:
    key = jax.random.key(seed)
    k_ids, k_tab = jax.random.split(key)
    input_ids = jax.random.randint(k_ids, (BATCH, SEQ), 0, VOCAB, dtype=jnp.int64 if jax.config.jax_enable_x64 else jnp.int32)
    table = jax.random.normal(k_tab, (VOCAB, EMBED_DIM), dtype=jnp.float32) * 0.02
    return {"input_ids": input_ids, "table": table}


def reference(input_ids, table):
    # EmbeddingLayerWithFixes with no external embeddings reduces to the
    # wrapped nn.Embedding lookup. replace_input_ids clamps out-of-range ids
    # (>= num_embeddings) to 0, which we replicate for faithfulness.
    ids = jnp.where(input_ids >= table.shape[0], 0, input_ids)
    out = jnp.take(table, ids, axis=0)  # [BATCH, SEQ, EMBED_DIM]
    return out

if __name__ == "__main__":
    import jax
    _d = setup_inputs()
    print(jax.jit(kernel)(*tuple(_d.values())))

</pallas_src>

<mosaic_0001>
#map = affine_map<(d0, d1) -> (0)>
#map1 = affine_map<(d0, d1) -> (0, 0)>
module attributes {stable_mosaic.version = 14 : i64} {
  func.func @_emb_kernel(%arg0: i32, %arg1: i32, %arg2: memref<819200xi32, #tpu.memory_space<hbm>>, %arg3: memref<1000000x64xf32, #tpu.memory_space<hbm>>, %arg4: memref<819200x64xf32, #tpu.memory_space<hbm>>, %arg5: memref<2x800xi32, #tpu.memory_space<vmem>>, %arg6: memref<2x800x64xf32, #tpu.memory_space<vmem>>, %arg7: memref<!tpu.dma_semaphore, #tpu.memory_space<semaphore_mem>>, %arg8: memref<!tpu.dma_semaphore, #tpu.memory_space<semaphore_mem>>) attributes {dimension_semantics = [#tpu.dimension_semantics<core_parallel>, #tpu.dimension_semantics<subcore_parallel>], iteration_bounds = array<i64: 2, 16>, scalar_prefetch = 0 : i64, scratch_operands = 4 : i64, tpu.core_type = #tpu.core_type<sc_vector_subcore>, window_params = [{transform_indices = #map}, {transform_indices = #map1}, {transform_indices = #map1}]} {
    %mul3A = arith.constant 2 : i32
    %mul3A_0 = arith.muli %arg1, %mul3A : i32
    %add3A = arith.addi %mul3A_0, %arg0 : i32
    %mul3A_1 = arith.constant 25600 : i32
    %mul3A_2 = arith.muli %add3A, %mul3A_1 : i32
    %add3A_3 = arith.constant 0 : i32
    %add3A_4 = arith.addi %mul3A_2, %add3A_3 : i32
    %run_scoped3A = arith.constant 0 : i32
    "tpu.region"() ({
      %run_scoped3A_141 = tpu.sem_alloc : memref<!tpu.dma_semaphore, #tpu.memory_space<semaphore_mem>>
      %dma_start3A_142 = arith.constant 0 : i32
      %dma_start3A_143 = tpu.memref_slice %arg5[%run_scoped3A, %dma_start3A_142] : memref<2x800xi32, #tpu.memory_space<vmem>> -> memref<1x800xi32, #tpu.memory_space<vmem>>
      %dma_start3A_144 = tpu.memref_squeeze %dma_start3A_143 : memref<1x800xi32, #tpu.memory_space<vmem>> -> memref<800xi32, #tpu.memory_space<vmem>>
      %dma_start3A_145 = tpu.memref_slice %arg2[%add3A_4] : memref<819200xi32, #tpu.memory_space<hbm>> -> memref<800xi32, #tpu.memory_space<hbm>>
      %dma_start3A_146 = arith.constant 0 : i32
      %dma_start3A_147 = tpu.memref_slice %arg5[%run_scoped3A, %dma_start3A_146] : memref<2x800xi32, #tpu.memory_space<vmem>> -> memref<1x800xi32, #tpu.memory_space<vmem>>
      %dma_start3A_148 = tpu.memref_squeeze %dma_start3A_147 : memref<1x800xi32, #tpu.memory_space<vmem>> -> memref<800xi32, #tpu.memory_space<vmem>>
      %dma_start3A_149 = tpu.memref_slice %arg2[%add3A_4] : memref<819200xi32, #tpu.memory_space<hbm>> -> memref<800xi32, #tpu.memory_space<hbm>>
      tpu.enqueue_dma source(%dma_start3A_149 : memref<800xi32, #tpu.memory_space<hbm>>) target(%dma_start3A_148 : memref<800xi32, #tpu.memory_space<vmem>>) target_semaphore(%run_scoped3A_141 : memref<!tpu.dma_semaphore, #tpu.memory_space<semaphore_mem>>)
      %dma_wait3A = arith.constant 0 : i32
      %dma_wait3A_150 = tpu.memref_slice %arg5[%run_scoped3A, %dma_wait3A] : memref<2x800xi32, #tpu.memory_space<vmem>> -> memref<1x800xi32, #tpu.memory_space<vmem>>
      %dma_wait3A_151 = tpu.memref_squeeze %dma_wait3A_150 : memref<1x800xi32, #tpu.memory_space<vmem>> -> memref<800xi32, #tpu.memory_space<vmem>>
      %dma_wait3A_152 = tpu.memref_slice %arg2[%add3A_4] : memref<819200xi32, #tpu.memory_space<hbm>> -> memref<800xi32, #tpu.memory_space<hbm>>
      %dma_wait3A_153 = arith.constant 0 : i32
      %dma_wait3A_154 = tpu.memref_slice %arg5[%run_scoped3A, %dma_wait3A_153] : memref<2x800xi32, #tpu.memory_space<vmem>> -> memref<1x800xi32, #tpu.memory_space<vmem>>
      %dma_wait3A_155 = tpu.memref_squeeze %dma_wait3A_154 : memref<1x800xi32, #tpu.memory_space<vmem>> -> memref<800xi32, #tpu.memory_space<vmem>>
      %dma_wait3A_156 = tpu.memref_slice %arg2[%add3A_4] : memref<819200xi32, #tpu.memory_space<hbm>> -> memref<800xi32, #tpu.memory_space<hbm>>
      tpu.wait_dma2 semaphore(%run_scoped3A_141 : memref<!tpu.dma_semaphore, #tpu.memory_space<semaphore_mem>>) src(%dma_wait3A_156 : memref<800xi32, #tpu.memory_space<hbm>>) dst(%dma_wait3A_155 : memref<800xi32, #tpu.memory_space<vmem>>)
      tpu.yield
    }) : () -> ()
    %scan3A = arith.constant 0 : i32
    %scan3A_5 = arith.constant 0 : i32
    %scan3A_6 = arith.constant 48 : i32
    %scan3A_7 = arith.addi %scan3A_5, %scan3A_6 : i32
    %scan3A_8 = arith.constant 4 : i32
    %scan3A_9 = scf.for %scan3A_141 = %scan3A_5 to %scan3A_7 step %scan3A_8 iter_args(%scan3A_142 = %scan3A) -> (i32)  : i32 {
      %mul3A_143 = arith.constant 16 : i32
      %mul3A_144 = arith.muli %scan3A_141, %mul3A_143 : i32
      %get3A_145 = arith.constant 0 : i32
      %get3A_146 = arith.index_cast %get3A_145 : i32 to index
      %get3A_147 = arith.index_cast %mul3A_144 : i32 to index
      %get3A_148 = tpu.vector_load %arg5[%get3A_146, %get3A_147] {strides = array<i32>} : memref<2x800xi32, #tpu.memory_space<vmem>>, vector<1x16xi32>,
      %get3A_149 = vector.shape_cast %get3A_148 : vector<1x16xi32> to vector<16xi32>
      %ge3A_150 = arith.constant 1000000 : i32
      %ge3A_151 = vector.broadcast %ge3A_150 : i32 to vector<16xi32>
      %ge3A_152 = arith.cmpi sge, %get3A_149, %ge3A_151 : vector<16xi32>
      %jit3A_153 = arith.constant 0 : i32
      %broadcast_in_dim3A_154 = vector.broadcast %jit3A_153 : i32 to vector<16xi32>
      %select_n3A_155 = arith.select %ge3A_152, %broadcast_in_dim3A_154, %get3A_149 : vector<16xi1>, vector<16xi32>
      %mul3A_156 = arith.constant 16 : i32
      %mul3A_157 = arith.muli %scan3A_141, %mul3A_156 : i32
      %swap3A_158 = arith.constant 0 : i32
      %swap3A_159 = arith.index_cast %swap3A_158 : i32 to index
      %swap3A_160 = arith.index_cast %mul3A_157 : i32 to index
      %swap3A_161 = tpu.vector_load %arg5[%swap3A_159, %swap3A_160] {strides = array<i32>} : memref<2x800xi32, #tpu.memory_space<vmem>>, vector<1x16xi32>,
      %swap3A_162 = vector.shape_cast %swap3A_161 : vector<1x16xi32> to vector<16xi32>
      %swap3A_163 = vector.shape_cast %select_n3A_155 : vector<16xi32> to vector<1x16xi32>
      tpu.vector_store %arg5[%swap3A_159, %swap3A_160], %swap3A_163 {strides = array<i32>} : memref<2x800xi32, #tpu.memory_space<vmem>>, vector<1x16xi32>,
      %scan3A_164 = arith.constant 0 : i32
      %scan3A_165 = arith.constant 1 : i32
      %scan3A_166 = arith.addi %scan3A_141, %scan3A_165 : i32
      %mul3A_167 = arith.constant 16 : i32
      %mul3A_168 = arith.muli %scan3A_166, %mul3A_167 : i32
      %get3A_169 = arith.constant 0 : i32
      %get3A_170 = arith.index_cast %get3A_169 : i32 to index
      %get3A_171 = arith.index_cast %mul3A_168 : i32 to index
      %get3A_172 = tpu.vector_load %arg5[%get3A_170, %get3A_171] {strides = array<i32>} : memref<2x800xi32, #tpu.memory_space<vmem>>, vector<1x16xi32>,
      %get3A_173 = vector.shape_cast %get3A_172 : vector<1x16xi32> to vector<16xi32>
      %ge3A_174 = arith.constant 1000000 : i32
      %ge3A_175 = vector.broadcast %ge3A_174 : i32 to vector<16xi32>
      %ge3A_176 = arith.cmpi sge, %get3A_173, %ge3A_175 : vector<16xi32>
      %jit3A_177 = arith.constant 0 : i32
      %broadcast_in_dim3A_178 = vector.broadcast %jit3A_177 : i32 to vector<16xi32>
      %select_n3A_179 = arith.select %ge3A_176, %broadcast_in_dim3A_178, %get3A_173 : vector<16xi1>, vector<16xi32>
      %mul3A_180 = arith.constant 16 : i32
      %mul3A_181 = arith.muli %scan3A_166, %mul3A_180 : i32
      %swap3A_182 = arith.constant 0 : i32
      %swap3A_183 = arith.index_cast %swap3A_182 : i32 to index
      %swap3A_184 = arith.index_cast %mul3A_181 : i32 to index
      %swap3A_185 = tpu.vector_load %arg5[%swap3A_183, %swap3A_184] {strides = array<i32>} : memref<2x800xi32, #tpu.memory_space<vmem>>, vector<1x16xi32>,
      %swap3A_186 = vector.shape_cast %swap3A_185 : vector<1x16xi32> to vector<16xi32>
      %swap3A_187 = vector.shape_cast %select_n3A_179 : vector<16xi32> to vector<1x16xi32>
      tpu.vector_store %arg5[%swap3A_183, %swap3A_184], %swap3A_187 {strides = array<i32>} : memref<2x800xi32, #tpu.memory_space<vmem>>, vector<1x16xi32>,
      %scan3A_188 = arith.constant 0 : i32
      %scan3A_189 = arith.constant 2 : i32
      %scan3A_190 = arith.addi %scan3A_141, %scan3A_189 : i32
      %mul3A_191 = arith.constant 16 : i32
      %mul3A_192 = arith.muli %scan3A_190, %mul3A_191 : i32
      %get3A_193 = arith.constant 0 : i32
      %get3A_194 = arith.index_cast %get3A_193 : i32 to index
      %get3A_195 = arith.index_cast %mul3A_192 : i32 to index
      %get3A_196 = tpu.vector_load %arg5[%get3A_194, %get3A_195] {strides = array<i32>} : memref<2x800xi32, #tpu.memory_space<vmem>>, vector<1x16xi32>,
      %get3A_197 = vector.shape_cast %get3A_196 : vector<1x16xi32> to vector<16xi32>
      %ge3A_198 = arith.constant 1000000 : i32
      %ge3A_199 = vector.broadcast %ge3A_198 : i32 to vector<16xi32>
      %ge3A_200 = arith.cmpi sge, %get3A_197, %ge3A_199 : vector<16xi32>
      %jit3A_201 = arith.constant 0 : i32
      %broadcast_in_dim3A_202 = vector.broadcast %jit3A_201 : i32 to vector<16xi32>
      %select_n3A_203 = arith.select %ge3A_200, %broadcast_in_dim3A_202, %get3A_197 : vector<16xi1>, vector<16xi32>
      %mul3A_204 = arith.constant 16 : i32
      %mul3A_205 = arith.muli %scan3A_190, %mul3A_204 : i32
      %swap3A_206 = arith.constant 0 : i32
      %swap3A_207 = arith.index_cast %swap3A_206 : i32 to index
      %swap3A_208 = arith.index_cast %mul3A_205 : i32 to index
      %swap3A_209 = tpu.vector_load %arg5[%swap3A_207, %swap3A_208] {strides = array<i32>} : memref<2x800xi32, #tpu.memory_space<vmem>>, vector<1x16xi32>,
      %swap3A_210 = vector.shape_cast %swap3A_209 : vector<1x16xi32> to vector<16xi32>
      %swap3A_211 = vector.shape_cast %select_n3A_203 : vector<16xi32> to vector<1x16xi32>
      tpu.vector_store %arg5[%swap3A_207, %swap3A_208], %swap3A_211 {strides = array<i32>} : memref<2x800xi32, #tpu.memory_space<vmem>>, vector<1x16xi32>,
      %scan3A_212 = arith.constant 0 : i32
      %scan3A_213 = arith.constant 3 : i32
      %scan3A_214 = arith.addi %scan3A_141, %scan3A_213 : i32
      %mul3A_215 = arith.constant 16 : i32
      %mul3A_216 = arith.muli %scan3A_214, %mul3A_215 : i32
      %get3A_217 = arith.constant 0 : i32
      %get3A_218 = arith.index_cast %get3A_217 : i32 to index
      %get3A_219 = arith.index_cast %mul3A_216 : i32 to index
      %get3A_220 = tpu.vector_load %arg5[%get3A_218, %get3A_219] {strides = array<i32>} : memref<2x800xi32, #tpu.memory_space<vmem>>, vector<1x16xi32>,
      %get3A_221 = vector.shape_cast %get3A_220 : vector<1x16xi32> to vector<16xi32>
      %ge3A_222 = arith.constant 1000000 : i32
      %ge3A_223 = vector.broadcast %ge3A_222 : i32 to vector<16xi32>
      %ge3A_224 = arith.cmpi sge, %get3A_221, %ge3A_223 : vector<16xi32>
      %jit3A_225 = arith.constant 0 : i32
      %broadcast_in_dim3A_226 = vector.broadcast %jit3A_225 : i32 to vector<16xi32>
      %select_n3A_227 = arith.select %ge3A_224, %broadcast_in_dim3A_226, %get3A_221 : vector<16xi1>, vector<16xi32>
      %mul3A_228 = arith.constant 16 : i32
      %mul3A_229 = arith.muli %scan3A_214, %mul3A_228 : i32
      %swap3A_230 = arith.constant 0 : i32
      %swap3A_231 = arith.index_cast %swap3A_230 : i32 to index
      %swap3A_232 = arith.index_cast %mul3A_229 : i32 to index
      %swap3A_233 = tpu.vector_load %arg5[%swap3A_231, %swap3A_232] {strides = array<i32>} : memref<2x800xi32, #tpu.memory_space<vmem>>, vector<1x16xi32>,
      %swap3A_234 = vector.shape_cast %swap3A_233 : vector<1x16xi32> to vector<16xi32>
      %swap3A_235 = vector.shape_cast %select_n3A_227 : vector<16xi32> to vector<1x16xi32>
      tpu.vector_store %arg5[%swap3A_231, %swap3A_232], %swap3A_235 {strides = array<i32>} : memref<2x800xi32, #tpu.memory_space<vmem>>, vector<1x16xi32>,
      %scan3A_236 = arith.constant 0 : i32
      scf.yield %scan3A_236 : i32
    }
    %scan3A_10 = arith.constant 48 : i32
    %scan3A_11 = arith.addi %scan3A_5, %scan3A_10 : i32
    %mul3A_12 = arith.constant 16 : i32
    %mul3A_13 = arith.muli %scan3A_11, %mul3A_12 : i32
    %get3A = arith.constant 0 : i32
    %get3A_14 = arith.index_cast %get3A : i32 to index
    %get3A_15 = arith.index_cast %mul3A_13 : i32 to index
    %get3A_16 = tpu.vector_load %arg5[%get3A_14, %get3A_15] {strides = array<i32>} : memref<2x800xi32, #tpu.memory_space<vmem>>, vector<1x16xi32>,
    %get3A_17 = vector.shape_cast %get3A_16 : vector<1x16xi32> to vector<16xi32>
    %ge3A = arith.constant 1000000 : i32
    %ge3A_18 = vector.broadcast %ge3A : i32 to vector<16xi32>
    %ge3A_19 = arith.cmpi sge, %get3A_17, %ge3A_18 : vector<16xi32>
    %jit3A = arith.constant 0 : i32
    %broadcast_in_dim3A = vector.broadcast %jit3A : i32 to vector<16xi32>
    %select_n3A = arith.select %ge3A_19, %broadcast_in_dim3A, %get3A_17 : vector<16xi1>, vector<16xi32>
    %mul3A_20 = arith.constant 16 : i32
    %mul3A_21 = arith.muli %scan3A_11, %mul3A_20 : i32
    %swap3A = arith.constant 0 : i32
    %swap3A_22 = arith.index_cast %swap3A : i32 to index
    %swap3A_23 = arith.index_cast %mul3A_21 : i32 to index
    %swap3A_24 = tpu.vector_load %arg5[%swap3A_22, %swap3A_23] {strides = array<i32>} : memref<2x800xi32, #tpu.memory_space<vmem>>, vector<1x16xi32>,
    %swap3A_25 = vector.shape_cast %swap3A_24 : vector<1x16xi32> to vector<16xi32>
    %swap3A_26 = vector.shape_cast %select_n3A : vector<16xi32> to vector<1x16xi32>
    tpu.vector_store %arg5[%swap3A_22, %swap3A_23], %swap3A_26 {strides = array<i32>} : memref<2x800xi32, #tpu.memory_space<vmem>>, vector<1x16xi32>,
    %scan3A_27 = arith.constant 0 : i32
    %scan3A_28 = arith.constant 49 : i32
    %scan3A_29 = arith.addi %scan3A_5, %scan3A_28 : i32
    %mul3A_30 = arith.constant 16 : i32
    %mul3A_31 = arith.muli %scan3A_29, %mul3A_30 : i32
    %get3A_32 = arith.constant 0 : i32
    %get3A_33 = arith.index_cast %get3A_32 : i32 to index
    %get3A_34 = arith.index_cast %mul3A_31 : i32 to index
    %get3A_35 = tpu.vector_load %arg5[%get3A_33, %get3A_34] {strides = array<i32>} : memref<2x800xi32, #tpu.memory_space<vmem>>, vector<1x16xi32>,
    %get3A_36 = vector.shape_cast %get3A_35 : vector<1x16xi32> to vector<16xi32>
    %ge3A_37 = arith.constant 1000000 : i32
    %ge3A_38 = vector.broadcast %ge3A_37 : i32 to vector<16xi32>
    %ge3A_39 = arith.cmpi sge, %get3A_36, %ge3A_38 : vector<16xi32>
    %jit3A_40 = arith.constant 0 : i32
    %broadcast_in_dim3A_41 = vector.broadcast %jit3A_40 : i32 to vector<16xi32>
    %select_n3A_42 = arith.select %ge3A_39, %broadcast_in_dim3A_41, %get3A_36 : vector<16xi1>, vector<16xi32>
    %mul3A_43 = arith.constant 16 : i32
    %mul3A_44 = arith.muli %scan3A_29, %mul3A_43 : i32
    %swap3A_45 = arith.constant 0 : i32
    %swap3A_46 = arith.index_cast %swap3A_45 : i32 to index
    %swap3A_47 = arith.index_cast %mul3A_44 : i32 to index
    %swap3A_48 = tpu.vector_load %arg5[%swap3A_46, %swap3A_47] {strides = array<i32>} : memref<2x800xi32, #tpu.memory_space<vmem>>, vector<1x16xi32>,
    %swap3A_49 = vector.shape_cast %swap3A_48 : vector<1x16xi32> to vector<16xi32>
    %swap3A_50 = vector.shape_cast %select_n3A_42 : vector<16xi32> to vector<1x16xi32>
    tpu.vector_store %arg5[%swap3A_46, %swap3A_47], %swap3A_50 {strides = array<i32>} : memref<2x800xi32, #tpu.memory_space<vmem>>, vector<1x16xi32>,
    %scan3A_51 = arith.constant 0 : i32
    %scan3A_52 = arith.constant 50 : i32
    %dma_start3A = arith.constant 0 : i32
    %dma_start3A_53 = arith.constant 0 : i32
    %dma_start3A_54 = arith.constant 0 : i32
    %dma_start3A_55 = arith.constant 0 : i32
    %dma_start3A_56 = tpu.memref_slice %arg6[%dma_start3A_53, %dma_start3A_54, %dma_start3A_55] : memref<2x800x64xf32, #tpu.memory_space<vmem>> -> memref<1x800x64xf32, #tpu.memory_space<vmem>>
    %dma_start3A_57 = tpu.memref_squeeze %dma_start3A_56 : memref<1x800x64xf32, #tpu.memory_space<vmem>> -> memref<800x64xf32, #tpu.memory_space<vmem>>
    %dma_start3A_58 = arith.constant 0 : i32
    %dma_start3A_59 = tpu.memref_slice %arg5[%dma_start3A, %dma_start3A_58] : memref<2x800xi32, #tpu.memory_space<vmem>> -> memref<1x800xi32, #tpu.memory_space<vmem>>
    %dma_start3A_60 = tpu.memref_squeeze %dma_start3A_59 : memref<1x800xi32, #tpu.memory_space<vmem>> -> memref<800xi32, #tpu.memory_space<vmem>>
    %dma_start3A_61 = arith.constant 0 : i32
    %dma_start3A_62 = arith.constant 0 : i32
    %dma_start3A_63 = tpu.memref_slice %arg3[%dma_start3A_61, %dma_start3A_62] : memref<1000000x64xf32, #tpu.memory_space<hbm>> -> memref<1000000x64xf32, #tpu.memory_space<hbm>>
    tpu.enqueue_indirect_dma source(%dma_start3A_63 : memref<1000000x64xf32, #tpu.memory_space<hbm>>) target(%dma_start3A_57 : memref<800x64xf32, #tpu.memory_space<vmem>>) offsets(%dma_start3A_60 : memref<800xi32, #tpu.memory_space<vmem>>) semaphore(%arg7 : memref<!tpu.dma_semaphore, #tpu.memory_space<semaphore_mem>>)
    %add3A_64 = arith.constant 800 : i32
    %add3A_65 = arith.addi %mul3A_2, %add3A_64 : i32
    %run_scoped3A_66 = arith.constant 1 : i32
    "tpu.region"() ({
      %run_scoped3A_141 = tpu.sem_alloc : memref<!tpu.dma_semaphore, #tpu.memory_space<semaphore_mem>>
      %dma_start3A_142 = arith.constant 0 : i32
      %dma_start3A_143 = tpu.memref_slice %arg5[%run_scoped3A_66, %dma_start3A_142] : memref<2x800xi32, #tpu.memory_space<vmem>> -> memref<1x800xi32, #tpu.memory_space<vmem>>
      %dma_start3A_144 = tpu.memref_squeeze %dma_start3A_143 : memref<1x800xi32, #tpu.memory_space<vmem>> -> memref<800xi32, #tpu.memory_space<vmem>>
      %dma_start3A_145 = tpu.memref_slice %arg2[%add3A_65] : memref<819200xi32, #tpu.memory_space<hbm>> -> memref<800xi32, #tpu.memory_space<hbm>>
      %dma_start3A_146 = arith.constant 0 : i32
      %dma_start3A_147 = tpu.memref_slice %arg5[%run_scoped3A_66, %dma_start3A_146] : memref<2x800xi32, #tpu.memory_space<vmem>> -> memref<1x800xi32, #tpu.memory_space<vmem>>
      %dma_start3A_148 = tpu.memref_squeeze %dma_start3A_147 : memref<1x800xi32, #tpu.memory_space<vmem>> -> memref<800xi32, #tpu.memory_space<vmem>>
      %dma_start3A_149 = tpu.memref_slice %arg2[%add3A_65] : memref<819200xi32, #tpu.memory_space<hbm>> -> memref<800xi32, #tpu.memory_space<hbm>>
      tpu.enqueue_dma source(%dma_start3A_149 : memref<800xi32, #tpu.memory_space<hbm>>) target(%dma_start3A_148 : memref<800xi32, #tpu.memory_space<vmem>>) target_semaphore(%run_scoped3A_141 : memref<!tpu.dma_semaphore, #tpu.memory_space<semaphore_mem>>)
      %dma_wait3A = arith.constant 0 : i32
      %dma_wait3A_150 = tpu.memref_slice %arg5[%run_scoped3A_66, %dma_wait3A] : memref<2x800xi32, #tpu.memory_space<vmem>> -> memref<1x800xi32, #tpu.memory_space<vmem>>
      %dma_wait3A_151 = tpu.memref_squeeze %dma_wait3A_150 : memref<1x800xi32, #tpu.memory_space<vmem>> -> memref<800xi32, #tpu.memory_space<vmem>>
      %dma_wait3A_152 = tpu.memref_slice %arg2[%add3A_65] : memref<819200xi32, #tpu.memory_space<hbm>> -> memref<800xi32, #tpu.memory_space<hbm>>
      %dma_wait3A_153 = arith.constant 0 : i32
      %dma_wait3A_154 = tpu.memref_slice %arg5[%run_scoped3A_66, %dma_wait3A_153] : memref<2x800xi32, #tpu.memory_space<vmem>> -> memref<1x800xi32, #tpu.memory_space<vmem>>
      %dma_wait3A_155 = tpu.memref_squeeze %dma_wait3A_154 : memref<1x800xi32, #tpu.memory_space<vmem>> -> memref<800xi32, #tpu.memory_space<vmem>>
      %dma_wait3A_156 = tpu.memref_slice %arg2[%add3A_65] : memref<819200xi32, #tpu.memory_space<hbm>> -> memref<800xi32, #tpu.memory_space<hbm>>
      tpu.wait_dma2 semaphore(%run_scoped3A_141 : memref<!tpu.dma_semaphore, #tpu.memory_space<semaphore_mem>>) src(%dma_wait3A_156 : memref<800xi32, #tpu.memory_space<hbm>>) dst(%dma_wait3A_155 : memref<800xi32, #tpu.memory_space<vmem>>)
      tpu.yield
    }) : () -> ()
    %scan3A_67 = arith.constant 0 : i32
    %scan3A_68 = arith.constant 0 : i32
    %scan3A_69 = arith.constant 48 : i32
    %scan3A_70 = arith.addi %scan3A_68, %scan3A_69 : i32
    %scan3A_71 = arith.constant 4 : i32
    %scan3A_72 = scf.for %scan3A_141 = %scan3A_68 to %scan3A_70 step %scan3A_71 iter_args(%scan3A_142 = %scan3A_67) -> (i32)  : i32 {
      %mul3A_143 = arith.constant 16 : i32
      %mul3A_144 = arith.muli %scan3A_141, %mul3A_143 : i32
      %get3A_145 = arith.constant 1 : i32
      %get3A_146 = arith.index_cast %get3A_145 : i32 to index
      %get3A_147 = arith.index_cast %mul3A_144 : i32 to index
      %get3A_148 = tpu.vector_load %arg5[%get3A_146, %get3A_147] {strides = array<i32>} : memref<2x800xi32, #tpu.memory_space<vmem>>, vector<1x16xi32>,
      %get3A_149 = vector.shape_cast %get3A_148 : vector<1x16xi32> to vector<16xi32>
      %ge3A_150 = arith.constant 1000000 : i32
      %ge3A_151 = vector.broadcast %ge3A_150 : i32 to vector<16xi32>
      %ge3A_152 = arith.cmpi sge, %get3A_149, %ge3A_151 : vector<16xi32>
      %jit3A_153 = arith.constant 0 : i32
      %broadcast_in_dim3A_154 = vector.broadcast %jit3A_153 : i32 to vector<16xi32>
      %select_n3A_155 = arith.select %ge3A_152, %broadcast_in_dim3A_154, %get3A_149 : vector<16xi1>, vector<16xi32>
      %mul3A_156 = arith.constant 16 : i32
      %mul3A_157 = arith.muli %scan3A_141, %mul3A_156 : i32
      %swap3A_158 = arith.constant 1 : i32
      %swap3A_159 = arith.index_cast %swap3A_158 : i32 to index
      %swap3A_160 = arith.index_cast %mul3A_157 : i32 to index
      %swap3A_161 = tpu.vector_load %arg5[%swap3A_159, %swap3A_160] {strides = array<i32>} : memref<2x800xi32, #tpu.memory_space<vmem>>, vector<1x16xi32>,
      %swap3A_162 = vector.shape_cast %swap3A_161 : vector<1x16xi32> to vector<16xi32>
      %swap3A_163 = vector.shape_cast %select_n3A_155 : vector<16xi32> to vector<1x16xi32>
      tpu.vector_store %arg5[%swap3A_159, %swap3A_160], %swap3A_163 {strides = array<i32>} : memref<2x800xi32, #tpu.memory_space<vmem>>, vector<1x16xi32>,
      %scan3A_164 = arith.constant 0 : i32
      %scan3A_165 = arith.constant 1 : i32
      %scan3A_166 = arith.addi %scan3A_141, %scan3A_165 : i32
      %mul3A_167 = arith.constant 16 : i32
      %mul3A_168 = arith.muli %scan3A_166, %mul3A_167 : i32
      %get3A_169 = arith.constant 1 : i32
      %get3A_170 = arith.index_cast %get3A_169 : i32 to index
      %get3A_171 = arith.index_cast %mul3A_168 : i32 to index
      %get3A_172 = tpu.vector_load %arg5[%get3A_170, %get3A_171] {strides = array<i32>} : memref<2x800xi32, #tpu.memory_space<vmem>>, vector<1x16xi32>,
      %get3A_173 = vector.shape_cast %get3A_172 : vector<1x16xi32> to vector<16xi32>
      %ge3A_174 = arith.constant 1000000 : i32
      %ge3A_175 = vector.broadcast %ge3A_174 : i32 to vector<16xi32>
      %ge3A_176 = arith.cmpi sge, %get3A_173, %ge3A_175 : vector<16xi32>
      %jit3A_177 = arith.constant 0 : i32
      %broadcast_in_dim3A_178 = vector.broadcast %jit3A_177 : i32 to vector<16xi32>
      %select_n3A_179 = arith.select %ge3A_176, %broadcast_in_dim3A_178, %get3A_173 : vector<16xi1>, vector<16xi32>
      %mul3A_180 = arith.constant 16 : i32
      %mul3A_181 = arith.muli %scan3A_166, %mul3A_180 : i32
      %swap3A_182 = arith.constant 1 : i32
      %swap3A_183 = arith.index_cast %swap3A_182 : i32 to index
      %swap3A_184 = arith.index_cast %mul3A_181 : i32 to index
      %swap3A_185 = tpu.vector_load %arg5[%swap3A_183, %swap3A_184] {strides = array<i32>} : memref<2x800xi32, #tpu.memory_space<vmem>>, vector<1x16xi32>,
      %swap3A_186 = vector.shape_cast %swap3A_185 : vector<1x16xi32> to vector<16xi32>
      %swap3A_187 = vector.shape_cast %select_n3A_179 : vector<16xi32> to vector<1x16xi32>
      tpu.vector_store %arg5[%swap3A_183, %swap3A_184], %swap3A_187 {strides = array<i32>} : memref<2x800xi32, #tpu.memory_space<vmem>>, vector<1x16xi32>,
      %scan3A_188 = arith.constant 0 : i32
      %scan3A_189 = arith.constant 2 : i32
      %scan3A_190 = arith.addi %scan3A_141, %scan3A_189 : i32
      %mul3A_191 = arith.constant 16 : i32
      %mul3A_192 = arith.muli %scan3A_190, %mul3A_191 : i32
      %get3A_193 = arith.constant 1 : i32
      %get3A_194 = arith.index_cast %get3A_193 : i32 to index
      %get3A_195 = arith.index_cast %mul3A_192 : i32 to index
      %get3A_196 = tpu.vector_load %arg5[%get3A_194, %get3A_195] {strides = array<i32>} : memref<2x800xi32, #tpu.memory_space<vmem>>, vector<1x16xi32>,
      %get3A_197 = vector.shape_cast %get3A_196 : vector<1x16xi32> to vector<16xi32>
      %ge3A_198 = arith.constant 1000000 : i32
      %ge3A_199 = vector.broadcast %ge3A_198 : i32 to vector<16xi32>
      %ge3A_200 = arith.cmpi sge, %get3A_197, %ge3A_199 : vector<16xi32>
      %jit3A_201 = arith.constant 0 : i32
      %broadcast_in_dim3A_202 = vector.broadcast %jit3A_201 : i32 to vector<16xi32>
      %select_n3A_203 = arith.select %ge3A_200, %broadcast_in_dim3A_202, %get3A_197 : vector<16xi1>, vector<16xi32>
      %mul3A_204 = arith.constant 16 : i32
      %mul3A_205 = arith.muli %scan3A_190, %mul3A_204 : i32
      %swap3A_206 = arith.constant 1 : i32
      %swap3A_207 = arith.index_cast %swap3A_206 : i32 to index
      %swap3A_208 = arith.index_cast %mul3A_205 : i32 to index
      %swap3A_209 = tpu.vector_load %arg5[%swap3A_207, %swap3A_208] {strides = array<i32>} : memref<2x800xi32, #tpu.memory_space<vmem>>, vector<1x16xi32>,
      %swap3A_210 = vector.shape_cast %swap3A_209 : vector<1x16xi32> to vector<16xi32>
      %swap3A_211 = vector.shape_cast %select_n3A_203 : vector<16xi32> to vector<1x16xi32>
      tpu.vector_store %arg5[%swap3A_207, %swap3A_208], %swap3A_211 {strides = array<i32>} : memref<2x800xi32, #tpu.memory_space<vmem>>, vector<1x16xi32>,
      %scan3A_212 = arith.constant 0 : i32
      %scan3A_213 = arith.constant 3 : i32
      %scan3A_214 = arith.addi %scan3A_141, %scan3A_213 : i32
      %mul3A_215 = arith.constant 16 : i32
      %mul3A_216 = arith.muli %scan3A_214, %mul3A_215 : i32
      %get3A_217 = arith.constant 1 : i32
      %get3A_218 = arith.index_cast %get3A_217 : i32 to index
      %get3A_219 = arith.index_cast %mul3A_216 : i32 to index
      %get3A_220 = tpu.vector_load %arg5[%get3A_218, %get3A_219] {strides = array<i32>} : memref<2x800xi32, #tpu.memory_space<vmem>>, vector<1x16xi32>,
      %get3A_221 = vector.shape_cast %get3A_220 : vector<1x16xi32> to vector<16xi32>
      %ge3A_222 = arith.constant 1000000 : i32
      %ge3A_223 = vector.broadcast %ge3A_222 : i32 to vector<16xi32>
      %ge3A_224 = arith.cmpi sge, %get3A_221, %ge3A_223 : vector<16xi32>
      %jit3A_225 = arith.constant 0 : i32
      %broadcast_in_dim3A_226 = vector.broadcast %jit3A_225 : i32 to vector<16xi32>
      %select_n3A_227 = arith.select %ge3A_224, %broadcast_in_dim3A_226, %get3A_221 : vector<16xi1>, vector<16xi32>
      %mul3A_228 = arith.constant 16 : i32
      %mul3A_229 = arith.muli %scan3A_214, %mul3A_228 : i32
      %swap3A_230 = arith.constant 1 : i32
      %swap3A_231 = arith.index_cast %swap3A_230 : i32 to index
      %swap3A_232 = arith.index_cast %mul3A_229 : i32 to index
      %swap3A_233 = tpu.vector_load %arg5[%swap3A_231, %swap3A_232] {strides = array<i32>} : memref<2x800xi32, #tpu.memory_space<vmem>>, vector<1x16xi32>,
      %swap3A_234 = vector.shape_cast %swap3A_233 : vector<1x16xi32> to vector<16xi32>
      %swap3A_235 = vector.shape_cast %select_n3A_227 : vector<16xi32> to vector<1x16xi32>
      tpu.vector_store %arg5[%swap3A_231, %swap3A_232], %swap3A_235 {strides = array<i32>} : memref<2x800xi32, #tpu.memory_space<vmem>>, vector<1x16xi32>,
      %scan3A_236 = arith.constant 0 : i32
      scf.yield %scan3A_236 : i32
    }
    %scan3A_73 = arith.constant 48 : i32
    %scan3A_74 = arith.addi %scan3A_68, %scan3A_73 : i32
    %mul3A_75 = arith.constant 16 : i32
    %mul3A_76 = arith.muli %scan3A_74, %mul3A_75 : i32
    %get3A_77 = arith.constant 1 : i32
    %get3A_78 = arith.index_cast %get3A_77 : i32 to index
    %get3A_79 = arith.index_cast %mul3A_76 : i32 to index
    %get3A_80 = tpu.vector_load %arg5[%get3A_78, %get3A_79] {strides = array<i32>} : memref<2x800xi32, #tpu.memory_space<vmem>>, vector<1x16xi32>,
    %get3A_81 = vector.shape_cast %get3A_80 : vector<1x16xi32> to vector<16xi32>
    %ge3A_82 = arith.constant 1000000 : i32
    %ge3A_83 = vector.broadcast %ge3A_82 : i32 to vector<16xi32>
    %ge3A_84 = arith.cmpi sge, %get3A_81, %ge3A_83 : vector<16xi32>
    %jit3A_85 = arith.constant 0 : i32
    %broadcast_in_dim3A_86 = vector.broadcast %jit3A_85 : i32 to vector<16xi32>
    %select_n3A_87 = arith.select %ge3A_84, %broadcast_in_dim3A_86, %get3A_81 : vector<16xi1>, vector<16xi32>
    %mul3A_88 = arith.constant 16 : i32
    %mul3A_89 = arith.muli %scan3A_74, %mul3A_88 : i32
    %swap3A_90 = arith.constant 1 : i32
    %swap3A_91 = arith.index_cast %swap3A_90 : i32 to index
    %swap3A_92 = arith.index_cast %mul3A_89 : i32 to index
    %swap3A_93 = tpu.vector_load %arg5[%swap3A_91, %swap3A_92] {strides = array<i32>} : memref<2x800xi32, #tpu.memory_space<vmem>>, vector<1x16xi32>,
    %swap3A_94 = vector.shape_cast %swap3A_93 : vector<1x16xi32> to vector<16xi32>
    %swap3A_95 = vector.shape_cast %select_n3A_87 : vector<16xi32> to vector<1x16xi32>
    tpu.vector_store %arg5[%swap3A_91, %swap3A_92], %swap3A_95 {strides = array<i32>} : memref<2x800xi32, #tpu.memory_space<vmem>>, vector<1x16xi32>,
    %scan3A_96 = arith.constant 0 : i32
    %scan3A_97 = arith.constant 49 : i32
    %scan3A_98 = arith.addi %scan3A_68, %scan3A_97 : i32
    %mul3A_99 = arith.constant 16 : i32
    %mul3A_100 = arith.muli %scan3A_98, %mul3A_99 : i32
    %get3A_101 = arith.constant 1 : i32
    %get3A_102 = arith.index_cast %get3A_101 : i32 to index
    %get3A_103 = arith.index_cast %mul3A_100 : i32 to index
    %get3A_104 = tpu.vector_load %arg5[%get3A_102, %get3A_103] {strides = array<i32>} : memref<2x800xi32, #tpu.memory_space<vmem>>, vector<1x16xi32>,
    %get3A_105 = vector.shape_cast %get3A_104 : vector<1x16xi32> to vector<16xi32>
    %ge3A_106 = arith.constant 1000000 : i32
    %ge3A_107 = vector.broadcast %ge3A_106 : i32 to vector<16xi32>
    %ge3A_108 = arith.cmpi sge, %get3A_105, %ge3A_107 : vector<16xi32>
    %jit3A_109 = arith.constant 0 : i32
    %broadcast_in_dim3A_110 = vector.broadcast %jit3A_109 : i32 to vector<16xi32>
    %select_n3A_111 = arith.select %ge3A_108, %broadcast_in_dim3A_110, %get3A_105 : vector<16xi1>, vector<16xi32>
    %mul3A_112 = arith.constant 16 : i32
    %mul3A_113 = arith.muli %scan3A_98, %mul3A_112 : i32
    %swap3A_114 = arith.constant 1 : i32
    %swap3A_115 = arith.index_cast %swap3A_114 : i32 to index
    %swap3A_116 = arith.index_cast %mul3A_113 : i32 to index
    %swap3A_117 = tpu.vector_load %arg5[%swap3A_115, %swap3A_116] {strides = array<i32>} : memref<2x800xi32, #tpu.memory_space<vmem>>, vector<1x16xi32>,
    %swap3A_118 = vector.shape_cast %swap3A_117 : vector<1x16xi32> to vector<16xi32>
    %swap3A_119 = vector.shape_cast %select_n3A_111 : vector<16xi32> to vector<1x16xi32>
    tpu.vector_store %arg5[%swap3A_115, %swap3A_116], %swap3A_119 {strides = array<i32>} : memref<2x800xi32, #tpu.memory_space<vmem>>, vector<1x16xi32>,
    %scan3A_120 = arith.constant 0 : i32
    %scan3A_121 = arith.constant 50 : i32
    %dma_start3A_122 = arith.constant 1 : i32
    %dma_start3A_123 = arith.constant 1 : i32
    %dma_start3A_124 = arith.constant 0 : i32
    %dma_start3A_125 = arith.constant 0 : i32
    %dma_start3A_126 = tpu.memref_slice %arg6[%dma_start3A_123, %dma_start3A_124, %dma_start3A_125] : memref<2x800x64xf32, #tpu.memory_space<vmem>> -> memref<1x800x64xf32, #tpu.memory_space<vmem>>
    %dma_start3A_127 = tpu.memref_squeeze %dma_start3A_126 : memref<1x800x64xf32, #tpu.memory_space<vmem>> -> memref<800x64xf32, #tpu.memory_space<vmem>>
    %dma_start3A_128 = arith.constant 0 : i32
    %dma_start3A_129 = tpu.memref_slice %arg5[%dma_start3A_122, %dma_start3A_128] : memref<2x800xi32, #tpu.memory_space<vmem>> -> memref<1x800xi32, #tpu.memory_space<vmem>>
    %dma_start3A_130 = tpu.memref_squeeze %dma_start3A_129 : memref<1x800xi32, #tpu.memory_space<vmem>> -> memref<800xi32, #tpu.memory_space<vmem>>
    %dma_start3A_131 = arith.constant 0 : i32
    %dma_start3A_132 = arith.constant 0 : i32
    %dma_start3A_133 = tpu.memref_slice %arg3[%dma_start3A_131, %dma_start3A_132] : memref<1000000x64xf32, #tpu.memory_space<hbm>> -> memref<1000000x64xf32, #tpu.memory_space<hbm>>
    tpu.enqueue_indirect_dma source(%dma_start3A_133 : memref<1000000x64xf32, #tpu.memory_space<hbm>>) target(%dma_start3A_127 : memref<800x64xf32, #tpu.memory_space<vmem>>) offsets(%dma_start3A_130 : memref<800xi32, #tpu.memory_space<vmem>>) semaphore(%arg8 : memref<!tpu.dma_semaphore, #tpu.memory_space<semaphore_mem>>)
    %scan3A_134 = arith.constant 0 : i32
    %scan3A_135 = arith.constant 0 : i32
    %scan3A_136 = arith.constant 16 : i32
    %scan3A_137 = arith.addi %scan3A_135, %scan3A_136 : i32
    %scan3A_138 = arith.constant 1 : i32
    %scan3A_139 = scf.for %scan3A_141 = %scan3A_135 to %scan3A_137 step %scan3A_138 iter_args(%scan3A_142 = %scan3A_134) -> (i32)  : i32 {
      %mul3A_143 = arith.constant 2 : i32
      %mul3A_144 = arith.muli %scan3A_141, %mul3A_143 : i32
      %add3A_145 = arith.constant 0 : i32
      %add3A_146 = arith.addi %mul3A_144, %add3A_145 : i32
      %dma_wait3A = arith.constant 0 : i32
      %dma_wait3A_147 = arith.constant 0 : i32
      %dma_wait3A_148 = arith.constant 0 : i32
      %dma_wait3A_149 = arith.constant 0 : i32
      %dma_wait3A_150 = tpu.memref_slice %arg6[%dma_wait3A_147, %dma_wait3A_148, %dma_wait3A_149] : memref<2x800x64xf32, #tpu.memory_space<vmem>> -> memref<1x800x64xf32, #tpu.memory_space<vmem>>
      %dma_wait3A_151 = tpu.memref_squeeze %dma_wait3A_150 : memref<1x800x64xf32, #tpu.memory_space<vmem>> -> memref<800x64xf32, #tpu.memory_space<vmem>>
      %dma_wait3A_152 = arith.constant 0 : i32
      %dma_wait3A_153 = tpu.memref_slice %arg5[%dma_wait3A, %dma_wait3A_152] : memref<2x800xi32, #tpu.memory_space<vmem>> -> memref<1x800xi32, #tpu.memory_space<vmem>>
      %dma_wait3A_154 = tpu.memref_squeeze %dma_wait3A_153 : memref<1x800xi32, #tpu.memory_space<vmem>> -> memref<800xi32, #tpu.memory_space<vmem>>
      %dma_wait3A_155 = arith.constant 0 : i32
      %dma_wait3A_156 = arith.constant 0 : i32
      %dma_wait3A_157 = tpu.memref_slice %arg3[%dma_wait3A_155, %dma_wait3A_156] : memref<1000000x64xf32, #tpu.memory_space<hbm>> -> memref<1000000x64xf32, #tpu.memory_space<hbm>>
      tpu.wait_indirect_dma semaphore(%arg7 : memref<!tpu.dma_semaphore, #tpu.memory_space<semaphore_mem>>) src(%dma_wait3A_157 : memref<1000000x64xf32, #tpu.memory_space<hbm>>) dst(%dma_wait3A_151 : memref<800x64xf32, #tpu.memory_space<vmem>>)
      %mul3A_158 = arith.constant 800 : i32
      %mul3A_159 = arith.muli %add3A_146, %mul3A_158 : i32
      %add3A_160 = arith.addi %mul3A_2, %mul3A_159 : i32
      %run_scoped3A_161 = arith.constant 0 : i32
      "tpu.region"() ({
        %run_scoped3A_192 = tpu.sem_alloc : memref<!tpu.dma_semaphore, #tpu.memory_space<semaphore_mem>>
        %dma_start3A_193 = arith.constant 0 : i32
        %dma_start3A_194 = arith.constant 0 : i32
        %dma_start3A_195 = tpu.memref_slice %arg6[%run_scoped3A_161, %dma_start3A_193, %dma_start3A_194] : memref<2x800x64xf32, #tpu.memory_space<vmem>> -> memref<1x800x64xf32, #tpu.memory_space<vmem>>
        %dma_start3A_196 = tpu.memref_squeeze %dma_start3A_195 : memref<1x800x64xf32, #tpu.memory_space<vmem>> -> memref<800x64xf32, #tpu.memory_space<vmem>>
        %dma_start3A_197 = arith.constant 0 : i32
        %dma_start3A_198 = tpu.memref_slice %arg4[%add3A_160, %dma_start3A_197] : memref<819200x64xf32, #tpu.memory_space<hbm>> -> memref<800x64xf32, #tpu.memory_space<hbm>>
        %dma_start3A_199 = arith.constant 0 : i32
        %dma_start3A_200 = tpu.memref_slice %arg4[%add3A_160, %dma_start3A_199] : memref<819200x64xf32, #tpu.memory_space<hbm>> -> memref<800x64xf32, #tpu.memory_space<hbm>>
        %dma_start3A_201 = arith.constant 0 : i32
        %dma_start3A_202 = arith.constant 0 : i32
        %dma_start3A_203 = tpu.memref_slice %arg6[%run_scoped3A_161, %dma_start3A_201, %dma_start3A_202] : memref<2x800x64xf32, #tpu.memory_space<vmem>> -> memref<1x800x64xf32, #tpu.memory_space<vmem>>
        %dma_start3A_204 = tpu.memref_squeeze %dma_start3A_203 : memref<1x800x64xf32, #tpu.memory_space<vmem>> -> memref<800x64xf32, #tpu.memory_space<vmem>>
        tpu.enqueue_dma source(%dma_start3A_204 : memref<800x64xf32, #tpu.memory_space<vmem>>) target(%dma_start3A_200 : memref<800x64xf32, #tpu.memory_space<hbm>>) target_semaphore(%run_scoped3A_192 : memref<!tpu.dma_semaphore, #tpu.memory_space<semaphore_mem>>)
        %dma_wait3A_205 = arith.constant 0 : i32
        %dma_wait3A_206 = arith.constant 0 : i32
        %dma_wait3A_207 = tpu.memref_slice %arg6[%run_scoped3A_161, %dma_wait3A_205, %dma_wait3A_206] : memref<2x800x64xf32, #tpu.memory_space<vmem>> -> memref<1x800x64xf32, #tpu.memory_space<vmem>>
        %dma_wait3A_208 = tpu.memref_squeeze %dma_wait3A_207 : memref<1x800x64xf32, #tpu.memory_space<vmem>> -> memref<800x64xf32, #tpu.memory_space<vmem>>
        %dma_wait3A_209 = arith.constant 0 : i32
        %dma_wait3A_210 = tpu.memref_slice %arg4[%add3A_160, %dma_wait3A_209] : memref<819200x64xf32, #tpu.memory_space<hbm>> -> memref<800x64xf32, #tpu.memory_space<hbm>>
        %dma_wait3A_211 = arith.constant 0 : i32
        %dma_wait3A_212 = tpu.memref_slice %arg4[%add3A_160, %dma_wait3A_211] : memref<819200x64xf32, #tpu.memory_space<hbm>> -> memref<800x64xf32, #tpu.memory_space<hbm>>
        %dma_wait3A_213 = arith.constant 0 : i32
        %dma_wait3A_214 = arith.constant 0 : i32
        %dma_wait3A_215 = tpu.memref_slice %arg6[%run_scoped3A_161, %dma_wait3A_213, %dma_wait3A_214] : memref<2x800x64xf32, #tpu.memory_space<vmem>> -> memref<1x800x64xf32, #tpu.memory_space<vmem>>
        %dma_wait3A_216 = tpu.memref_squeeze %dma_wait3A_215 : memref<1x800x64xf32, #tpu.memory_space<vmem>> -> memref<800x64xf32, #tpu.memory_space<vmem>>
        tpu.wait_dma2 semaphore(%run_scoped3A_192 : memref<!tpu.dma_semaphore, #tpu.memory_space<semaphore_mem>>) src(%dma_wait3A_216 : memref<800x64xf32, #tpu.memory_space<vmem>>) dst(%dma_wait3A_212 : memref<800x64xf32, #tpu.memory_space<hbm>>)
        tpu.yield
      }) : () -> ()
      %add3A_162 = arith.constant 2 : i32
      %add3A_163 = arith.addi %add3A_146, %add3A_162 : i32
      %lt3A = arith.constant 32 : i32
      %lt3A_164 = arith.cmpi slt, %add3A_163, %lt3A : i32
      %convert_element_type3A = arith.extui %lt3A_164 : i1 to i32
      %cond3A = arith.constant 0 : i32
      %cond3A_165 = arith.cmpi ne, %convert_element_type3A, %cond3A : i32
      scf.if %cond3A_165 {
        %mul3A_192 = arith.constant 800 : i32
        %mul3A_193 = arith.muli %add3A_163, %mul3A_192 : i32
        %add3A_194 = arith.addi %mul3A_2, %mul3A_193 : i32
        %run_scoped3A_195 = arith.constant 0 : i32
        "tpu.region"() ({
          %run_scoped3A_263 = tpu.sem_alloc : memref<!tpu.dma_semaphore, #tpu.memory_space<semaphore_mem>>
          %dma_start3A_264 = arith.constant 0 : i32
          %dma_start3A_265 = tpu.memref_slice %arg5[%run_scoped3A_195, %dma_start3A_264] : memref<2x800xi32, #tpu.memory_space<vmem>> -> memref<1x800xi32, #tpu.memory_space<vmem>>
          %dma_start3A_266 = tpu.memref_squeeze %dma_start3A_265 : memref<1x800xi32, #tpu.memory_space<vmem>> -> memref<800xi32, #tpu.memory_space<vmem>>
          %dma_start3A_267 = tpu.memref_slice %arg2[%add3A_194] : memref<819200xi32, #tpu.memory_space<hbm>> -> memref<800xi32, #tpu.memory_space<hbm>>
          %dma_start3A_268 = arith.constant 0 : i32
          %dma_start3A_269 = tpu.memref_slice %arg5[%run_scoped3A_195, %dma_start3A_268] : memref<2x800xi32, #tpu.memory_space<vmem>> -> memref<1x800xi32, #tpu.memory_space<vmem>>
          %dma_start3A_270 = tpu.memref_squeeze %dma_start3A_269 : memref<1x800xi32, #tpu.memory_space<vmem>> -> memref<800xi32, #tpu.memory_space<vmem>>
          %dma_start3A_271 = tpu.memref_slice %arg2[%add3A_194] : memref<819200xi32, #tpu.memory_space<hbm>> -> memref<800xi32, #tpu.memory_space<hbm>>
          tpu.enqueue_dma source(%dma_start3A_271 : memref<800xi32, #tpu.memory_space<hbm>>) target(%dma_start3A_270 : memref<800xi32, #tpu.memory_space<vmem>>) target_semaphore(%run_scoped3A_263 : memref<!tpu.dma_semaphore, #tpu.memory_space<semaphore_mem>>)
          %dma_wait3A_272 = arith.constant 0 : i32
          %dma_wait3A_273 = tpu.memref_slice %arg5[%run_scoped3A_195, %dma_wait3A_272] : memref<2x800xi32, #tpu.memory_space<vmem>> -> memref<1x800xi32, #tpu.memory_space<vmem>>
          %dma_wait3A_274 = tpu.memref_squeeze %dma_wait3A_273 : memref<1x800xi32, #tpu.memory_space<vmem>> -> memref<800xi32, #tpu.memory_space<vmem>>
          %dma_wait3A_275 = tpu.memref_slice %arg2[%add3A_194] : memref<819200xi32, #tpu.memory_space<hbm>> -> memref<800xi32, #tpu.memory_space<hbm>>
          %dma_wait3A_276 = arith.constant 0 : i32
          %dma_wait3A_277 = tpu.memref_slice %arg5[%run_scoped3A_195, %dma_wait3A_276] : memref<2x800xi32, #tpu.memory_space<vmem>> -> memref<1x800xi32, #tpu.memory_space<vmem>>
          %dma_wait3A_278 = tpu.memref_squeeze %dma_wait3A_277 : memref<1x800xi32, #tpu.memory_space<vmem>> -> memref<800xi32, #tpu.memory_space<vmem>>
          %dma_wait3A_279 = tpu.memref_slice %arg2[%add3A_194] : memref<819200xi32, #tpu.memory_space<hbm>> -> memref<800xi32, #tpu.memory_space<hbm>>
          tpu.wait_dma2 semaphore(%run_scoped3A_263 : memref<!tpu.dma_semaphore, #tpu.memory_space<semaphore_mem>>) src(%dma_wait3A_279 : memref<800xi32, #tpu.memory_space<hbm>>) dst(%dma_wait3A_278 : memref<800xi32, #tpu.memory_space<vmem>>)
          tpu.yield
        }) : () -> ()
        %scan3A_196 = arith.constant 0 : i32
        %scan3A_197 = arith.constant 0 : i32
        %scan3A_198 = arith.constant 48 : i32
        %scan3A_199 = arith.addi %scan3A_197, %scan3A_198 : i32
        %scan3A_200 = arith.constant 4 : i32
        %scan3A_201 = scf.for %scan3A_263 = %scan3A_197 to %scan3A_199 step %scan3A_200 iter_args(%scan3A_264 = %scan3A_196) -> (i32)  : i32 {
          %mul3A_265 = arith.constant 16 : i32
          %mul3A_266 = arith.muli %scan3A_263, %mul3A_265 : i32
          %get3A_267 = arith.constant 0 : i32
          %get3A_268 = arith.index_cast %get3A_267 : i32 to index
          %get3A_269 = arith.index_cast %mul3A_266 : i32 to index
          %get3A_270 = tpu.vector_load %arg5[%get3A_268, %get3A_269] {strides = array<i32>} : memref<2x800xi32, #tpu.memory_space<vmem>>, vector<1x16xi32>,
          %get3A_271 = vector.shape_cast %get3A_270 : vector<1x16xi32> to vector<16xi32>
          %ge3A_272 = arith.constant 1000000 : i32
          %ge3A_273 = vector.broadcast %ge3A_272 : i32 to vector<16xi32>
          %ge3A_274 = arith.cmpi sge, %get3A_271, %ge3A_273 : vector<16xi32>
          %jit3A_275 = arith.constant 0 : i32
          %broadcast_in_dim3A_276 = vector.broadcast %jit3A_275 : i32 to vector<16xi32>
          %select_n3A_277 = arith.select %ge3A_274, %broadcast_in_dim3A_276, %get3A_271 : vector<16xi1>, vector<16xi32>
          %mul3A_278 = arith.constant 16 : i32
          %mul3A_279 = arith.muli %scan3A_263, %mul3A_278 : i32
          %swap3A_280 = arith.constant 0 : i32
          %swap3A_281 = arith.index_cast %swap3A_280 : i32 to index
          %swap3A_282 = arith.index_cast %mul3A_279 : i32 to index
          %swap3A_283 = tpu.vector_load %arg5[%swap3A_281, %swap3A_282] {strides = array<i32>} : memref<2x800xi32, #tpu.memory_space<vmem>>, vector<1x16xi32>,
          %swap3A_284 = vector.shape_cast %swap3A_283 : vector<1x16xi32> to vector<16xi32>
          %swap3A_285 = vector.shape_cast %select_n3A_277 : vector<16xi32> to vector<1x16xi32>
          tpu.vector_store %arg5[%swap3A_281, %swap3A_282], %swap3A_285 {strides = array<i32>} : memref<2x800xi32, #tpu.memory_space<vmem>>, vector<1x16xi32>,
          %scan3A_286 = arith.constant 0 : i32
          %scan3A_287 = arith.constant 1 : i32
          %scan3A_288 = arith.addi %scan3A_263, %scan3A_287 : i32
          %mul3A_289 = arith.constant 16 : i32
          %mul3A_290 = arith.muli %scan3A_288, %mul3A_289 : i32
          %get3A_291 = arith.constant 0 : i32
          %get3A_292 = arith.index_cast %get3A_291 : i32 to index
          %get3A_293 = arith.index_cast %mul3A_290 : i32 to index
          %get3A_294 = tpu.vector_load %arg5[%get3A_292, %get3A_293] {strides = array<i32>} : memref<2x800xi32, #tpu.memory_space<vmem>>, vector<1x16xi32>,
          %get3A_295 = vector.shape_cast %get3A_294 : vector<1x16xi32> to vector<16xi32>
          %ge3A_296 = arith.constant 1000000 : i32
          %ge3A_297 = vector.broadcast %ge3A_296 : i32 to vector<16xi32>
          %ge3A_298 = arith.cmpi sge, %get3A_295, %ge3A_297 : vector<16xi32>
          %jit3A_299 = arith.constant 0 : i32
          %broadcast_in_dim3A_300 = vector.broadcast %jit3A_299 : i32 to vector<16xi32>
          %select_n3A_301 = arith.select %ge3A_298, %broadcast_in_dim3A_300, %get3A_295 : vector<16xi1>, vector<16xi32>
          %mul3A_302 = arith.constant 16 : i32
          %mul3A_303 = arith.muli %scan3A_288, %mul3A_302 : i32
          %swap3A_304 = arith.constant 0 : i32
          %swap3A_305 = arith.index_cast %swap3A_304 : i32 to index
          %swap3A_306 = arith.index_cast %mul3A_303 : i32 to index
          %swap3A_307 = tpu.vector_load %arg5[%swap3A_305, %swap3A_306] {strides = array<i32>} : memref<2x800xi32, #tpu.memory_space<vmem>>, vector<1x16xi32>,
          %swap3A_308 = vector.shape_cast %swap3A_307 : vector<1x16xi32> to vector<16xi32>
          %swap3A_309 = vector.shape_cast %select_n3A_301 : vector<16xi32> to vector<1x16xi32>
          tpu.vector_store %arg5[%swap3A_305, %swap3A_306], %swap3A_309 {strides = array<i32>} : memref<2x800xi32, #tpu.memory_space<vmem>>, vector<1x16xi32>,
          %scan3A_310 = arith.constant 0 : i32
          %scan3A_311 = arith.constant 2 : i32
          %scan3A_312 = arith.addi %scan3A_263, %scan3A_311 : i32
          %mul3A_313 = arith.constant 16 : i32
          %mul3A_314 = arith.muli %scan3A_312, %mul3A_313 : i32
          %get3A_315 = arith.constant 0 : i32
          %get3A_316 = arith.index_cast %get3A_315 : i32 to index
          %get3A_317 = arith.index_cast %mul3A_314 : i32 to index
          %get3A_318 = tpu.vector_load %arg5[%get3A_316, %get3A_317] {strides = array<i32>} : memref<2x800xi32, #tpu.memory_space<vmem>>, vector<1x16xi32>,
          %get3A_319 = vector.shape_cast %get3A_318 : vector<1x16xi32> to vector<16xi32>
          %ge3A_320 = arith.constant 1000000 : i32
          %ge3A_321 = vector.broadcast %ge3A_320 : i32 to vector<16xi32>
          %ge3A_322 = arith.cmpi sge, %get3A_319, %ge3A_321 : vector<16xi32>
          %jit3A_323 = arith.constant 0 : i32
          %broadcast_in_dim3A_324 = vector.broadcast %jit3A_323 : i32 to vector<16xi32>
          %select_n3A_325 = arith.select %ge3A_322, %broadcast_in_dim3A_324, %get3A_319 : vector<16xi1>, vector<16xi32>
          %mul3A_326 = arith.constant 16 : i32
          %mul3A_327 = arith.muli %scan3A_312, %mul3A_326 : i32
          %swap3A_328 = arith.constant 0 : i32
          %swap3A_329 = arith.index_cast %swap3A_328 : i32 to index
          %swap3A_330 = arith.index_cast %mul3A_327 : i32 to index
          %swap3A_331 = tpu.vector_load %arg5[%swap3A_329, %swap3A_330] {strides = array<i32>} : memref<2x800xi32, #tpu.memory_space<vmem>>, vector<1x16xi32>,
          %swap3A_332 = vector.shape_cast %swap3A_331 : vector<1x16xi32> to vector<16xi32>
          %swap3A_333 = vector.shape_cast %select_n3A_325 : vector<16xi32> to vector<1x16xi32>
          tpu.vector_store %arg5[%swap3A_329, %swap3A_330], %swap3A_333 {strides = array<i32>} : memref<2x800xi32, #tpu.memory_space<vmem>>, vector<1x16xi32>,
          %scan3A_334 = arith.constant 0 : i32
          %scan3A_335 = arith.constant 3 : i32
          %scan3A_336 = arith.addi %scan3A_263, %scan3A_335 : i32
          %mul3A_337 = arith.constant 16 : i32
          %mul3A_338 = arith.muli %scan3A_336, %mul3A_337 : i32
          %get3A_339 = arith.constant 0 : i32
          %get3A_340 = arith.index_cast %get3A_339 : i32 to index
          %get3A_341 = arith.index_cast %mul3A_338 : i32 to index
          %get3A_342 = tpu.vector_load %arg5[%get3A_340, %get3A_341] {strides = array<i32>} : memref<2x800xi32, #tpu.memory_space<vmem>>, vector<1x16xi32>,
          %get3A_343 = vector.shape_cast %get3A_342 : vector<1x16xi32> to vector<16xi32>
          %ge3A_344 = arith.constant 1000000 : i32
          %ge3A_345 = vector.broadcast %ge3A_344 : i32 to vector<16xi32>
          %ge3A_346 = arith.cmpi sge, %get3A_343, %ge3A_345 : vector<16xi32>
          %jit3A_347 = arith.constant 0 : i32
          %broadcast_in_dim3A_348 = vector.broadcast %jit3A_347 : i32 to vector<16xi32>
          %select_n3A_349 = arith.select %ge3A_346, %broadcast_in_dim3A_348, %get3A_343 : vector<16xi1>, vector<16xi32>
          %mul3A_350 = arith.constant 16 : i32
          %mul3A_351 = arith.muli %scan3A_336, %mul3A_350 : i32
          %swap3A_352 = arith.constant 0 : i32
          %swap3A_353 = arith.index_cast %swap3A_352 : i32 to index
          %swap3A_354 = arith.index_cast %mul3A_351 : i32 to index
          %swap3A_355 = tpu.vector_load %arg5[%swap3A_353, %swap3A_354] {strides = array<i32>} : memref<2x800xi32, #tpu.memory_space<vmem>>, vector<1x16xi32>,
          %swap3A_356 = vector.shape_cast %swap3A_355 : vector<1x16xi32> to vector<16xi32>
          %swap3A_357 = vector.shape_cast %select_n3A_349 : vector<16xi32> to vector<1x16xi32>
          tpu.vector_store %arg5[%swap3A_353, %swap3A_354], %swap3A_357 {strides = array<i32>} : memref<2x800xi32, #tpu.memory_space<vmem>>, vector<1x16xi32>,
          %scan3A_358 = arith.constant 0 : i32
          scf.yield %scan3A_358 : i32
        }
        %scan3A_202 = arith.constant 48 : i32
        %scan3A_203 = arith.addi %scan3A_197, %scan3A_202 : i32
        %mul3A_204 = arith.constant 16 : i32
        %mul3A_205 = arith.muli %scan3A_203, %mul3A_204 : i32
        %get3A_206 = arith.constant 0 : i32
        %get3A_207 = arith.index_cast %get3A_206 : i32 to index
        %get3A_208 = arith.index_cast %mul3A_205 : i32 to index
        %get3A_209 = tpu.vector_load %arg5[%get3A_207, %get3A_208] {strides = array<i32>} : memref<2x800xi32, #tpu.memory_space<vmem>>, vector<1x16xi32>,
        %get3A_210 = vector.shape_cast %get3A_209 : vector<1x16xi32> to vector<16xi32>
        %ge3A_211 = arith.constant 1000000 : i32
        %ge3A_212 = vector.broadcast %ge3A_211 : i32 to vector<16xi32>
        %ge3A_213 = arith.cmpi sge, %get3A_210, %ge3A_212 : vector<16xi32>
        %jit3A_214 = arith.constant 0 : i32
        %broadcast_in_dim3A_215 = vector.broadcast %jit3A_214 : i32 to vector<16xi32>
        %select_n3A_216 = arith.select %ge3A_213, %broadcast_in_dim3A_215, %get3A_210 : vector<16xi1>, vector<16xi32>
        %mul3A_217 = arith.constant 16 : i32
        %mul3A_218 = arith.muli %scan3A_203, %mul3A_217 : i32
        %swap3A_219 = arith.constant 0 : i32
        %swap3A_220 = arith.index_cast %swap3A_219 : i32 to index
        %swap3A_221 = arith.index_cast %mul3A_218 : i32 to index
        %swap3A_222 = tpu.vector_load %arg5[%swap3A_220, %swap3A_221] {strides = array<i32>} : memref<2x800xi32, #tpu.memory_space<vmem>>, vector<1x16xi32>,
        %swap3A_223 = vector.shape_cast %swap3A_222 : vector<1x16xi32> to vector<16xi32>
        %swap3A_224 = vector.shape_cast %select_n3A_216 : vector<16xi32> to vector<1x16xi32>
        tpu.vector_store %arg5[%swap3A_220, %swap3A_221], %swap3A_224 {strides = array<i32>} : memref<2x800xi32, #tpu.memory_space<vmem>>, vector<1x16xi32>,
        %scan3A_225 = arith.constant 0 : i32
        %scan3A_226 = arith.constant 49 : i32
        %scan3A_227 = arith.addi %scan3A_197, %scan3A_226 : i32
        %mul3A_228 = arith.constant 16 : i32
        %mul3A_229 = arith.muli %scan3A_227, %mul3A_228 : i32
        %get3A_230 = arith.constant 0 : i32
        %get3A_231 = arith.index_cast %get3A_230 : i32 to index
        %get3A_232 = arith.index_cast %mul3A_229 : i32 to index
        %get3A_233 = tpu.vector_load %arg5[%get3A_231, %get3A_232] {strides = array<i32>} : memref<2x800xi32, #tpu.memory_space<vmem>>, vector<1x16xi32>,
        %get3A_234 = vector.shape_cast %get3A_233 : vector<1x16xi32> to vector<16xi32>
        %ge3A_235 = arith.constant 1000000 : i32
        %ge3A_236 = vector.broadcast %ge3A_235 : i32 to vector<16xi32>
        %ge3A_237 = arith.cmpi sge, %get3A_234, %ge3A_236 : vector<16xi32>
        %jit3A_238 = arith.constant 0 : i32
        %broadcast_in_dim3A_239 = vector.broadcast %jit3A_238 : i32 to vector<16xi32>
        %select_n3A_240 = arith.select %ge3A_237, %broadcast_in_dim3A_239, %get3A_234 : vector<16xi1>, vector<16xi32>
        %mul3A_241 = arith.constant 16 : i32
        %mul3A_242 = arith.muli %scan3A_227, %mul3A_241 : i32
        %swap3A_243 = arith.constant 0 : i32
        %swap3A_244 = arith.index_cast %swap3A_243 : i32 to index
        %swap3A_245 = arith.index_cast %mul3A_242 : i32 to index
        %swap3A_246 = tpu.vector_load %arg5[%swap3A_244, %swap3A_245] {strides = array<i32>} : memref<2x800xi32, #tpu.memory_space<vmem>>, vector<1x16xi32>,
        %swap3A_247 = vector.shape_cast %swap3A_246 : vector<1x16xi32> to vector<16xi32>
        %swap3A_248 = vector.shape_cast %select_n3A_240 : vector<16xi32> to vector<1x16xi32>
        tpu.vector_store %arg5[%swap3A_244, %swap3A_245], %swap3A_248 {strides = array<i32>} : memref<2x800xi32, #tpu.memory_space<vmem>>, vector<1x16xi32>,
        %scan3A_249 = arith.constant 0 : i32
        %scan3A_250 = arith.constant 50 : i32
        %dma_start3A_251 = arith.constant 0 : i32
        %dma_start3A_252 = arith.constant 0 : i32
        %dma_start3A_253 = arith.constant 0 : i32
        %dma_start3A_254 = arith.constant 0 : i32
        %dma_start3A_255 = tpu.memref_slice %arg6[%dma_start3A_252, %dma_start3A_253, %dma_start3A_254] : memref<2x800x64xf32, #tpu.memory_space<vmem>> -> memref<1x800x64xf32, #tpu.memory_space<vmem>>
        %dma_start3A_256 = tpu.memref_squeeze %dma_start3A_255 : memref<1x800x64xf32, #tpu.memory_space<vmem>> -> memref<800x64xf32, #tpu.memory_space<vmem>>
        %dma_start3A_257 = arith.constant 0 : i32
        %dma_start3A_258 = tpu.memref_slice %arg5[%dma_start3A_251, %dma_start3A_257] : memref<2x800xi32, #tpu.memory_space<vmem>> -> memref<1x800xi32, #tpu.memory_space<vmem>>
        %dma_start3A_259 = tpu.memref_squeeze %dma_start3A_258 : memref<1x800xi32, #tpu.memory_space<vmem>> -> memref<800xi32, #tpu.memory_space<vmem>>
        %dma_start3A_260 = arith.constant 0 : i32
        %dma_start3A_261 = arith.constant 0 : i32
        %dma_start3A_262 = tpu.memref_slice %arg3[%dma_start3A_260, %dma_start3A_261] : memref<1000000x64xf32, #tpu.memory_space<hbm>> -> memref<1000000x64xf32, #tpu.memory_space<hbm>>
        tpu.enqueue_indirect_dma source(%dma_start3A_262 : memref<1000000x64xf32, #tpu.memory_space<hbm>>) target(%dma_start3A_256 : memref<800x64xf32, #tpu.memory_space<vmem>>) offsets(%dma_start3A_259 : memref<800xi32, #tpu.memory_space<vmem>>) semaphore(%arg7 : memref<!tpu.dma_semaphore, #tpu.memory_space<semaphore_mem>>)
      } else {
      }
      %add3A_166 = arith.constant 1 : i32
      %add3A_167 = arith.addi %mul3A_144, %add3A_166 : i32
      %dma_wait3A_168 = arith.constant 1 : i32
      %dma_wait3A_169 = arith.constant 1 : i32
      %dma_wait3A_170 = arith.constant 0 : i32
      %dma_wait3A_171 = arith.constant 0 : i32
      %dma_wait3A_172 = tpu.memref_slice %arg6[%dma_wait3A_169, %dma_wait3A_170, %dma_wait3A_171] : memref<2x800x64xf32, #tpu.memory_space<vmem>> -> memref<1x800x64xf32, #tpu.memory_space<vmem>>
      %dma_wait3A_173 = tpu.memref_squeeze %dma_wait3A_172 : memref<1x800x64xf32, #tpu.memory_space<vmem>> -> memref<800x64xf32, #tpu.memory_space<vmem>>
      %dma_wait3A_174 = arith.constant 0 : i32
      %dma_wait3A_175 = tpu.memref_slice %arg5[%dma_wait3A_168, %dma_wait3A_174] : memref<2x800xi32, #tpu.memory_space<vmem>> -> memref<1x800xi32, #tpu.memory_space<vmem>>
      %dma_wait3A_176 = tpu.memref_squeeze %dma_wait3A_175 : memref<1x800xi32, #tpu.memory_space<vmem>> -> memref<800xi32, #tpu.memory_space<vmem>>
      %dma_wait3A_177 = arith.constant 0 : i32
      %dma_wait3A_178 = arith.constant 0 : i32
      %dma_wait3A_179 = tpu.memref_slice %arg3[%dma_wait3A_177, %dma_wait3A_178] : memref<1000000x64xf32, #tpu.memory_space<hbm>> -> memref<1000000x64xf32, #tpu.memory_space<hbm>>
      tpu.wait_indirect_dma semaphore(%arg8 : memref<!tpu.dma_semaphore, #tpu.memory_space<semaphore_mem>>) src(%dma_wait3A_179 : memref<1000000x64xf32, #tpu.memory_space<hbm>>) dst(%dma_wait3A_173 : memref<800x64xf32, #tpu.memory_space<vmem>>)
      %mul3A_180 = arith.constant 800 : i32
      %mul3A_181 = arith.muli %add3A_167, %mul3A_180 : i32
      %add3A_182 = arith.addi %mul3A_2, %mul3A_181 : i32
      %run_scoped3A_183 = arith.constant 1 : i32
      "tpu.region"() ({
        %run_scoped3A_192 = tpu.sem_alloc : memref<!tpu.dma_semaphore, #tpu.memory_space<semaphore_mem>>
        %dma_start3A_193 = arith.constant 0 : i32
        %dma_start3A_194 = arith.constant 0 : i32
        %dma_start3A_195 = tpu.memref_slice %arg6[%run_scoped3A_183, %dma_start3A_193, %dma_start3A_194] : memref<2x800x64xf32, #tpu.memory_space<vmem>> -> memref<1x800x64xf32, #tpu.memory_space<vmem>>
        %dma_start3A_196 = tpu.memref_squeeze %dma_start3A_195 : memref<1x800x64xf32, #tpu.memory_space<vmem>> -> memref<800x64xf32, #tpu.memory_space<vmem>>
        %dma_start3A_197 = arith.constant 0 : i32
        %dma_start3A_198 = tpu.memref_slice %arg4[%add3A_182, %dma_start3A_197] : memref<819200x64xf32, #tpu.memory_space<hbm>> -> memref<800x64xf32, #tpu.memory_space<hbm>>
        %dma_start3A_199 = arith.constant 0 : i32
        %dma_start3A_200 = tpu.memref_slice %arg4[%add3A_182, %dma_start3A_199] : memref<819200x64xf32, #tpu.memory_space<hbm>> -> memref<800x64xf32, #tpu.memory_space<hbm>>
        %dma_start3A_201 = arith.constant 0 : i32
        %dma_start3A_202 = arith.constant 0 : i32
        %dma_start3A_203 = tpu.memref_slice %arg6[%run_scoped3A_183, %dma_start3A_201, %dma_start3A_202] : memref<2x800x64xf32, #tpu.memory_space<vmem>> -> memref<1x800x64xf32, #tpu.memory_space<vmem>>
        %dma_start3A_204 = tpu.memref_squeeze %dma_start3A_203 : memref<1x800x64xf32, #tpu.memory_space<vmem>> -> memref<800x64xf32, #tpu.memory_space<vmem>>
        tpu.enqueue_dma source(%dma_start3A_204 : memref<800x64xf32, #tpu.memory_space<vmem>>) target(%dma_start3A_200 : memref<800x64xf32, #tpu.memory_space<hbm>>) target_semaphore(%run_scoped3A_192 : memref<!tpu.dma_semaphore, #tpu.memory_space<semaphore_mem>>)
        %dma_wait3A_205 = arith.constant 0 : i32
        %dma_wait3A_206 = arith.constant 0 : i32
        %dma_wait3A_207 = tpu.memref_slice %arg6[%run_scoped3A_183, %dma_wait3A_205, %dma_wait3A_206] : memref<2x800x64xf32, #tpu.memory_space<vmem>> -> memref<1x800x64xf32, #tpu.memory_space<vmem>>
        %dma_wait3A_208 = tpu.memref_squeeze %dma_wait3A_207 : memref<1x800x64xf32, #tpu.memory_space<vmem>> -> memref<800x64xf32, #tpu.memory_space<vmem>>
        %dma_wait3A_209 = arith.constant 0 : i32
        %dma_wait3A_210 = tpu.memref_slice %arg4[%add3A_182, %dma_wait3A_209] : memref<819200x64xf32, #tpu.memory_space<hbm>> -> memref<800x64xf32, #tpu.memory_space<hbm>>
        %dma_wait3A_211 = arith.constant 0 : i32
        %dma_wait3A_212 = tpu.memref_slice %arg4[%add3A_182, %dma_wait3A_211] : memref<819200x64xf32, #tpu.memory_space<hbm>> -> memref<800x64xf32, #tpu.memory_space<hbm>>
        %dma_wait3A_213 = arith.constant 0 : i32
        %dma_wait3A_214 = arith.constant 0 : i32
        %dma_wait3A_215 = tpu.memref_slice %arg6[%run_scoped3A_183, %dma_wait3A_213, %dma_wait3A_214] : memref<2x800x64xf32, #tpu.memory_space<vmem>> -> memref<1x800x64xf32, #tpu.memory_space<vmem>>
        %dma_wait3A_216 = tpu.memref_squeeze %dma_wait3A_215 : memref<1x800x64xf32, #tpu.memory_space<vmem>> -> memref<800x64xf32, #tpu.memory_space<vmem>>
        tpu.wait_dma2 semaphore(%run_scoped3A_192 : memref<!tpu.dma_semaphore, #tpu.memory_space<semaphore_mem>>) src(%dma_wait3A_216 : memref<800x64xf32, #tpu.memory_space<vmem>>) dst(%dma_wait3A_212 : memref<800x64xf32, #tpu.memory_space<hbm>>)
        tpu.yield
      }) : () -> ()
      %add3A_184 = arith.constant 2 : i32
      %add3A_185 = arith.addi %add3A_167, %add3A_184 : i32
      %lt3A_186 = arith.constant 32 : i32
      %lt3A_187 = arith.cmpi slt, %add3A_185, %lt3A_186 : i32
      %convert_element_type3A_188 = arith.extui %lt3A_187 : i1 to i32
      %cond3A_189 = arith.constant 0 : i32
      %cond3A_190 = arith.cmpi ne, %convert_element_type3A_188, %cond3A_189 : i32
      scf.if %cond3A_190 {
        %mul3A_192 = arith.constant 800 : i32
        %mul3A_193 = arith.muli %add3A_185, %mul3A_192 : i32
        %add3A_194 = arith.addi %mul3A_2, %mul3A_193 : i32
        %run_scoped3A_195 = arith.constant 1 : i32
        "tpu.region"() ({
          %run_scoped3A_263 = tpu.sem_alloc : memref<!tpu.dma_semaphore, #tpu.memory_space<semaphore_mem>>
          %dma_start3A_264 = arith.constant 0 : i32
          %dma_start3A_265 = tpu.memref_slice %arg5[%run_scoped3A_195, %dma_start3A_264] : memref<2x800xi32, #tpu.memory_space<vmem>> -> memref<1x800xi32, #tpu.memory_space<vmem>>
          %dma_start3A_266 = tpu.memref_squeeze %dma_start3A_265 : memref<1x800xi32, #tpu.memory_space<vmem>> -> memref<800xi32, #tpu.memory_space<vmem>>
          %dma_start3A_267 = tpu.memref_slice %arg2[%add3A_194] : memref<819200xi32, #tpu.memory_space<hbm>> -> memref<800xi32, #tpu.memory_space<hbm>>
          %dma_start3A_268 = arith.constant 0 : i32
          %dma_start3A_269 = tpu.memref_slice %arg5[%run_scoped3A_195, %dma_start3A_268] : memref<2x800xi32, #tpu.memory_space<vmem>> -> memref<1x800xi32, #tpu.memory_space<vmem>>
          %dma_start3A_270 = tpu.memref_squeeze %dma_start3A_269 : memref<1x800xi32, #tpu.memory_space<vmem>> -> memref<800xi32, #tpu.memory_space<vmem>>
          %dma_start3A_271 = tpu.memref_slice %arg2[%add3A_194] : memref<819200xi32, #tpu.memory_space<hbm>> -> memref<800xi32, #tpu.memory_space<hbm>>
          tpu.enqueue_dma source(%dma_start3A_271 : memref<800xi32, #tpu.memory_space<hbm>>) target(%dma_start3A_270 : memref<800xi32, #tpu.memory_space<vmem>>) target_semaphore(%run_scoped3A_263 : memref<!tpu.dma_semaphore, #tpu.memory_space<semaphore_mem>>)
          %dma_wait3A_272 = arith.constant 0 : i32
          %dma_wait3A_273 = tpu.memref_slice %arg5[%run_scoped3A_195, %dma_wait3A_272] : memref<2x800xi32, #tpu.memory_space<vmem>> -> memref<1x800xi32, #tpu.memory_space<vmem>>
          %dma_wait3A_274 = tpu.memref_squeeze %dma_wait3A_273 : memref<1x800xi32, #tpu.memory_space<vmem>> -> memref<800xi32, #tpu.memory_space<vmem>>
          %dma_wait3A_275 = tpu.memref_slice %arg2[%add3A_194] : memref<819200xi32, #tpu.memory_space<hbm>> -> memref<800xi32, #tpu.memory_space<hbm>>
          %dma_wait3A_276 = arith.constant 0 : i32
          %dma_wait3A_277 = tpu.memref_slice %arg5[%run_scoped3A_195, %dma_wait3A_276] : memref<2x800xi32, #tpu.memory_space<vmem>> -> memref<1x800xi32, #tpu.memory_space<vmem>>
          %dma_wait3A_278 = tpu.memref_squeeze %dma_wait3A_277 : memref<1x800xi32, #tpu.memory_space<vmem>> -> memref<800xi32, #tpu.memory_space<vmem>>
          %dma_wait3A_279 = tpu.memref_slice %arg2[%add3A_194] : memref<819200xi32, #tpu.memory_space<hbm>> -> memref<800xi32, #tpu.memory_space<hbm>>
          tpu.wait_dma2 semaphore(%run_scoped3A_263 : memref<!tpu.dma_semaphore, #tpu.memory_space<semaphore_mem>>) src(%dma_wait3A_279 : memref<800xi32, #tpu.memory_space<hbm>>) dst(%dma_wait3A_278 : memref<800xi32, #tpu.memory_space<vmem>>)
          tpu.yield
        }) : () -> ()
        %scan3A_196 = arith.constant 0 : i32
        %scan3A_197 = arith.constant 0 : i32
        %scan3A_198 = arith.constant 48 : i32
        %scan3A_199 = arith.addi %scan3A_197, %scan3A_198 : i32
        %scan3A_200 = arith.constant 4 : i32
        %scan3A_201 = scf.for %scan3A_263 = %scan3A_197 to %scan3A_199 step %scan3A_200 iter_args(%scan3A_264 = %scan3A_196) -> (i32)  : i32 {
          %mul3A_265 = arith.constant 16 : i32
          %mul3A_266 = arith.muli %scan3A_263, %mul3A_265 : i32
          %get3A_267 = arith.constant 1 : i32
          %get3A_268 = arith.index_cast %get3A_267 : i32 to index
          %get3A_269 = arith.index_cast %mul3A_266 : i32 to index
          %get3A_270 = tpu.vector_load %arg5[%get3A_268, %get3A_269] {strides = array<i32>} : memref<2x800xi32, #tpu.memory_space<vmem>>, vector<1x16xi32>,
          %get3A_271 = vector.shape_cast %get3A_270 : vector<1x16xi32> to vector<16xi32>
          %ge3A_272 = arith.constant 1000000 : i32
          %ge3A_273 = vector.broadcast %ge3A_272 : i32 to vector<16xi32>
          %ge3A_274 = arith.cmpi sge, %get3A_271, %ge3A_273 : vector<16xi32>
          %jit3A_275 = arith.constant 0 : i32
          %broadcast_in_dim3A_276 = vector.broadcast %jit3A_275 : i32 to vector<16xi32>
          %select_n3A_277 = arith.select %ge3A_274, %broadcast_in_dim3A_276, %get3A_271 : vector<16xi1>, vector<16xi32>
          %mul3A_278 = arith.constant 16 : i32
          %mul3A_279 = arith.muli %scan3A_263, %mul3A_278 : i32
          %swap3A_280 = arith.constant 1 : i32
          %swap3A_281 = arith.index_cast %swap3A_280 : i32 to index
          %swap3A_282 = arith.index_cast %mul3A_279 : i32 to index
          %swap3A_283 = tpu.vector_load %arg5[%swap3A_281, %swap3A_282] {strides = array<i32>} : memref<2x800xi32, #tpu.memory_space<vmem>>, vector<1x16xi32>,
          %swap3A_284 = vector.shape_cast %swap3A_283 : vector<1x16xi32> to vector<16xi32>
          %swap3A_285 = vector.shape_cast %select_n3A_277 : vector<16xi32> to vector<1x16xi32>
          tpu.vector_store %arg5[%swap3A_281, %swap3A_282], %swap3A_285 {strides = array<i32>} : memref<2x800xi32, #tpu.memory_space<vmem>>, vector<1x16xi32>,
          %scan3A_286 = arith.constant 0 : i32
          %scan3A_287 = arith.constant 1 : i32
          %scan3A_288 = arith.addi %scan3A_263, %scan3A_287 : i32
          %mul3A_289 = arith.constant 16 : i32
          %mul3A_290 = arith.muli %scan3A_288, %mul3A_289 : i32
          %get3A_291 = arith.constant 1 : i32
          %get3A_292 = arith.index_cast %get3A_291 : i32 to index
          %get3A_293 = arith.index_cast %mul3A_290 : i32 to index
          %get3A_294 = tpu.vector_load %arg5[%get3A_292, %get3A_293] {strides = array<i32>} : memref<2x800xi32, #tpu.memory_space<vmem>>, vector<1x16xi32>,
          %get3A_295 = vector.shape_cast %get3A_294 : vector<1x16xi32> to vector<16xi32>
          %ge3A_296 = arith.constant 1000000 : i32
          %ge3A_297 = vector.broadcast %ge3A_296 : i32 to vector<16xi32>
          %ge3A_298 = arith.cmpi sge, %get3A_295, %ge3A_297 : vector<16xi32>
          %jit3A_299 = arith.constant 0 : i32
          %broadcast_in_dim3A_300 = vector.broadcast %jit3A_299 : i32 to vector<16xi32>
          %select_n3A_301 = arith.select %ge3A_298, %broadcast_in_dim3A_300, %get3A_295 : vector<16xi1>, vector<16xi32>
          %mul3A_302 = arith.constant 16 : i32
          %mul3A_303 = arith.muli %scan3A_288, %mul3A_302 : i32
          %swap3A_304 = arith.constant 1 : i32
          %swap3A_305 = arith.index_cast %swap3A_304 : i32 to index
          %swap3A_306 = arith.index_cast %mul3A_303 : i32 to index
          %swap3A_307 = tpu.vector_load %arg5[%swap3A_305, %swap3A_306] {strides = array<i32>} : memref<2x800xi32, #tpu.memory_space<vmem>>, vector<1x16xi32>,
          %swap3A_308 = vector.shape_cast %swap3A_307 : vector<1x16xi32> to vector<16xi32>
          %swap3A_309 = vector.shape_cast %select_n3A_301 : vector<16xi32> to vector<1x16xi32>
          tpu.vector_store %arg5[%swap3A_305, %swap3A_306], %swap3A_309 {strides = array<i32>} : memref<2x800xi32, #tpu.memory_space<vmem>>, vector<1x16xi32>,
          %scan3A_310 = arith.constant 0 : i32
          %scan3A_311 = arith.constant 2 : i32
          %scan3A_312 = arith.addi %scan3A_263, %scan3A_311 : i32
          %mul3A_313 = arith.constant 16 : i32
          %mul3A_314 = arith.muli %scan3A_312, %mul3A_313 : i32
          %get3A_315 = arith.constant 1 : i32
          %get3A_316 = arith.index_cast %get3A_315 : i32 to index
          %get3A_317 = arith.index_cast %mul3A_314 : i32 to index
          %get3A_318 = tpu.vector_load %arg5[%get3A_316, %get3A_317] {strides = array<i32>} : memref<2x800xi32, #tpu.memory_space<vmem>>, vector<1x16xi32>,
          %get3A_319 = vector.shape_cast %get3A_318 : vector<1x16xi32> to vector<16xi32>
          %ge3A_320 = arith.constant 1000000 : i32
          %ge3A_321 = vector.broadcast %ge3A_320 : i32 to vector<16xi32>
          %ge3A_322 = arith.cmpi sge, %get3A_319, %ge3A_321 : vector<16xi32>
          %jit3A_323 = arith.constant 0 : i32
          %broadcast_in_dim3A_324 = vector.broadcast %jit3A_323 : i32 to vector<16xi32>
          %select_n3A_325 = arith.select %ge3A_322, %broadcast_in_dim3A_324, %get3A_319 : vector<16xi1>, vector<16xi32>
          %mul3A_326 = arith.constant 16 : i32
          %mul3A_327 = arith.muli %scan3A_312, %mul3A_326 : i32
          %swap3A_328 = arith.constant 1 : i32
          %swap3A_329 = arith.index_cast %swap3A_328 : i32 to index
          %swap3A_330 = arith.index_cast %mul3A_327 : i32 to index
          %swap3A_331 = tpu.vector_load %arg5[%swap3A_329, %swap3A_330] {strides = array<i32>} : memref<2x800xi32, #tpu.memory_space<vmem>>, vector<1x16xi32>,
          %swap3A_332 = vector.shape_cast %swap3A_331 : vector<1x16xi32> to vector<16xi32>
          %swap3A_333 = vector.shape_cast %select_n3A_325 : vector<16xi32> to vector<1x16xi32>
          tpu.vector_store %arg5[%swap3A_329, %swap3A_330], %swap3A_333 {strides = array<i32>} : memref<2x800xi32, #tpu.memory_space<vmem>>, vector<1x16xi32>,
          %scan3A_334 = arith.constant 0 : i32
          %scan3A_335 = arith.constant 3 : i32
          %scan3A_336 = arith.addi %scan3A_263, %scan3A_335 : i32
          %mul3A_337 = arith.constant 16 : i32
          %mul3A_338 = arith.muli %scan3A_336, %mul3A_337 : i32
          %get3A_339 = arith.constant 1 : i32
          %get3A_340 = arith.index_cast %get3A_339 : i32 to index
          %get3A_341 = arith.index_cast %mul3A_338 : i32 to index
          %get3A_342 = tpu.vector_load %arg5[%get3A_340, %get3A_341] {strides = array<i32>} : memref<2x800xi32, #tpu.memory_space<vmem>>, vector<1x16xi32>,
          %get3A_343 = vector.shape_cast %get3A_342 : vector<1x16xi32> to vector<16xi32>
          %ge3A_344 = arith.constant 1000000 : i32
          %ge3A_345 = vector.broadcast %ge3A_344 : i32 to vector<16xi32>
          %ge3A_346 = arith.cmpi sge, %get3A_343, %ge3A_345 : vector<16xi32>
          %jit3A_347 = arith.constant 0 : i32
          %broadcast_in_dim3A_348 = vector.broadcast %jit3A_347 : i32 to vector<16xi32>
          %select_n3A_349 = arith.select %ge3A_346, %broadcast_in_dim3A_348, %get3A_343 : vector<16xi1>, vector<16xi32>
          %mul3A_350 = arith.constant 16 : i32
          %mul3A_351 = arith.muli %scan3A_336, %mul3A_350 : i32
          %swap3A_352 = arith.constant 1 : i32
          %swap3A_353 = arith.index_cast %swap3A_352 : i32 to index
          %swap3A_354 = arith.index_cast %mul3A_351 : i32 to index
          %swap3A_355 = tpu.vector_load %arg5[%swap3A_353, %swap3A_354] {strides = array<i32>} : memref<2x800xi32, #tpu.memory_space<vmem>>, vector<1x16xi32>,
          %swap3A_356 = vector.shape_cast %swap3A_355 : vector<1x16xi32> to vector<16xi32>
          %swap3A_357 = vector.shape_cast %select_n3A_349 : vector<16xi32> to vector<1x16xi32>
          tpu.vector_store %arg5[%swap3A_353, %swap3A_354], %swap3A_357 {strides = array<i32>} : memref<2x800xi32, #tpu.memory_space<vmem>>, vector<1x16xi32>,
          %scan3A_358 = arith.constant 0 : i32
          scf.yield %scan3A_358 : i32
        }
        %scan3A_202 = arith.constant 48 : i32
        %scan3A_203 = arith.addi %scan3A_197, %scan3A_202 : i32
        %mul3A_204 = arith.constant 16 : i32
        %mul3A_205 = arith.muli %scan3A_203, %mul3A_204 : i32
        %get3A_206 = arith.constant 1 : i32
        %get3A_207 = arith.index_cast %get3A_206 : i32 to index
        %get3A_208 = arith.index_cast %mul3A_205 : i32 to index
        %get3A_209 = tpu.vector_load %arg5[%get3A_207, %get3A_208] {strides = array<i32>} : memref<2x800xi32, #tpu.memory_space<vmem>>, vector<1x16xi32>,
        %get3A_210 = vector.shape_cast %get3A_209 : vector<1x16xi32> to vector<16xi32>
        %ge3A_211 = arith.constant 1000000 : i32
        %ge3A_212 = vector.broadcast %ge3A_211 : i32 to vector<16xi32>
        %ge3A_213 = arith.cmpi sge, %get3A_210, %ge3A_212 : vector<16xi32>
        %jit3A_214 = arith.constant 0 : i32
        %broadcast_in_dim3A_215 = vector.broadcast %jit3A_214 : i32 to vector<16xi32>
        %select_n3A_216 = arith.select %ge3A_213, %broadcast_in_dim3A_215, %get3A_210 : vector<16xi1>, vector<16xi32>
        %mul3A_217 = arith.constant 16 : i32
        %mul3A_218 = arith.muli %scan3A_203, %mul3A_217 : i32
        %swap3A_219 = arith.constant 1 : i32
        %swap3A_220 = arith.index_cast %swap3A_219 : i32 to index
        %swap3A_221 = arith.index_cast %mul3A_218 : i32 to index
        %swap3A_222 = tpu.vector_load %arg5[%swap3A_220, %swap3A_221] {strides = array<i32>} : memref<2x800xi32, #tpu.memory_space<vmem>>, vector<1x16xi32>,
        %swap3A_223 = vector.shape_cast %swap3A_222 : vector<1x16xi32> to vector<16xi32>
        %swap3A_224 = vector.shape_cast %select_n3A_216 : vector<16xi32> to vector<1x16xi32>
        tpu.vector_store %arg5[%swap3A_220, %swap3A_221], %swap3A_224 {strides = array<i32>} : memref<2x800xi32, #tpu.memory_space<vmem>>, vector<1x16xi32>,
        %scan3A_225 = arith.constant 0 : i32
        %scan3A_226 = arith.constant 49 : i32
        %scan3A_227 = arith.addi %scan3A_197, %scan3A_226 : i32
        %mul3A_228 = arith.constant 16 : i32
        %mul3A_229 = arith.muli %scan3A_227, %mul3A_228 : i32
        %get3A_230 = arith.constant 1 : i32
        %get3A_231 = arith.index_cast %get3A_230 : i32 to index
        %get3A_232 = arith.index_cast %mul3A_229 : i32 to index
        %get3A_233 = tpu.vector_load %arg5[%get3A_231, %get3A_232] {strides = array<i32>} : memref<2x800xi32, #tpu.memory_space<vmem>>, vector<1x16xi32>,
        %get3A_234 = vector.shape_cast %get3A_233 : vector<1x16xi32> to vector<16xi32>
        %ge3A_235 = arith.constant 1000000 : i32
        %ge3A_236 = vector.broadcast %ge3A_235 : i32 to vector<16xi32>
        %ge3A_237 = arith.cmpi sge, %get3A_234, %ge3A_236 : vector<16xi32>
        %jit3A_238 = arith.constant 0 : i32
        %broadcast_in_dim3A_239 = vector.broadcast %jit3A_238 : i32 to vector<16xi32>
        %select_n3A_240 = arith.select %ge3A_237, %broadcast_in_dim3A_239, %get3A_234 : vector<16xi1>, vector<16xi32>
        %mul3A_241 = arith.constant 16 : i32
        %mul3A_242 = arith.muli %scan3A_227, %mul3A_241 : i32
        %swap3A_243 = arith.constant 1 : i32
        %swap3A_244 = arith.index_cast %swap3A_243 : i32 to index
        %swap3A_245 = arith.index_cast %mul3A_242 : i32 to index
        %swap3A_246 = tpu.vector_load %arg5[%swap3A_244, %swap3A_245] {strides = array<i32>} : memref<2x800xi32, #tpu.memory_space<vmem>>, vector<1x16xi32>,
        %swap3A_247 = vector.shape_cast %swap3A_246 : vector<1x16xi32> to vector<16xi32>
        %swap3A_248 = vector.shape_cast %select_n3A_240 : vector<16xi32> to vector<1x16xi32>
        tpu.vector_store %arg5[%swap3A_244, %swap3A_245], %swap3A_248 {strides = array<i32>} : memref<2x800xi32, #tpu.memory_space<vmem>>, vector<1x16xi32>,
        %scan3A_249 = arith.constant 0 : i32
        %scan3A_250 = arith.constant 50 : i32
        %dma_start3A_251 = arith.constant 1 : i32
        %dma_start3A_252 = arith.constant 1 : i32
        %dma_start3A_253 = arith.constant 0 : i32
        %dma_start3A_254 = arith.constant 0 : i32
        %dma_start3A_255 = tpu.memref_slice %arg6[%dma_start3A_252, %dma_start3A_253, %dma_start3A_254] : memref<2x800x64xf32, #tpu.memory_space<vmem>> -> memref<1x800x64xf32, #tpu.memory_space<vmem>>
        %dma_start3A_256 = tpu.memref_squeeze %dma_start3A_255 : memref<1x800x64xf32, #tpu.memory_space<vmem>> -> memref<800x64xf32, #tpu.memory_space<vmem>>
        %dma_start3A_257 = arith.constant 0 : i32
        %dma_start3A_258 = tpu.memref_slice %arg5[%dma_start3A_251, %dma_start3A_257] : memref<2x800xi32, #tpu.memory_space<vmem>> -> memref<1x800xi32, #tpu.memory_space<vmem>>
        %dma_start3A_259 = tpu.memref_squeeze %dma_start3A_258 : memref<1x800xi32, #tpu.memory_space<vmem>> -> memref<800xi32, #tpu.memory_space<vmem>>
        %dma_start3A_260 = arith.constant 0 : i32
        %dma_start3A_261 = arith.constant 0 : i32
        %dma_start3A_262 = tpu.memref_slice %arg3[%dma_start3A_260, %dma_start3A_261] : memref<1000000x64xf32, #tpu.memory_space<hbm>> -> memref<1000000x64xf32, #tpu.memory_space<hbm>>
        tpu.enqueue_indirect_dma source(%dma_start3A_262 : memref<1000000x64xf32, #tpu.memory_space<hbm>>) target(%dma_start3A_256 : memref<800x64xf32, #tpu.memory_space<vmem>>) offsets(%dma_start3A_259 : memref<800xi32, #tpu.memory_space<vmem>>) semaphore(%arg8 : memref<!tpu.dma_semaphore, #tpu.memory_space<semaphore_mem>>)
      } else {
      }
      %scan3A_191 = arith.constant 0 : i32
      scf.yield %scan3A_191 : i32
    }
    %scan3A_140 = arith.constant 16 : i32
    return
  }
}

</mosaic_0001>

<sc_bundles>
// kernel: kernel.3.cloned.1.call-start
scs
__scs_entry_jumppad:
0x0: {  	(pc) =	sbr.rel $0x88, $3  }
0x1: {  	(tag) =	ssettag $0x0;
	lr =	simm.s32 $0x1  }
0x2: {  	[smem:$0x3F9F] =	sst lr;
	_ =	strace $0xD0000000  }
0x3: {  	_ = 	snop  }
0x4: {  	_ = 	snop  }
0x5: {  	_ = 	snop  }
0x6: {  	_ = 	snop  }
0x7: {  	_ = 	snop  }
__scs_overlays_trampoline_lowered:
0x8: {  	[smem:$0x3FAE] =	sst s0  }
0x9: {  	[smem:$0x3FAF] =	sst s1  }
0xa: {  	[smem:$0x3FB0] =	sst s2  }
0xb: {  	[smem:$0x3FB1] =	sst s3  }
0xc: {  	[smem:$0x3FB2] =	sst s4  }
0xd: {  	[smem:$0x3FB3] =	sst s5  }
0xe: {  	[smem:$0x3FB4] =	sst s6  }
0xf: {  	[smem:$0x3FB5] =	sst s7  }
0x10: {  	[smem:$0x3FB6] =	sst s8  }
0x11: {  	[smem:$0x3FB7] =	sst s9;
	s0 =	simm.s32 @!p0 $0x0  }
0x12: {  	s1 =	sld [smem:$0x3F9D];
	s0 =	simm.s32 @p0 $0x1  }
0x13: {  	[smem:$0x3FB8] =	sst s0;
	s0 =	simm.s32 @!p1 $0x0  }
0x14: {  	s2 =	sld [smem:$0x3F9C];
	s0 =	simm.s32 @p1 $0x1  }
0x15: {  	[smem:$0x3FB9] =	sst s0;
	s0 =	simm.s32 @!p2 $0x0  }
0x16: {  	s3 =	sld [smem:$0x3FDB];
	s0 =	simm.s32 @p2 $0x1  }
0x17: {  	s4 =	simm.s32 $0x1BF5;
	[smem:$0x3FBB] =	sst s0  }
0x18: {  	s0 =	sld [smem:$0x3F9E];
	_ =	swait.ge [sflag:s4], $0x0  }
0x19: {  	s7 =	sld [smem:$0x3F9F]  }
0x1a: {  	s8 =	sadd.s32 $0xFFFFE003, lr  }
0x1b: {  	s9 =	sadd.s32 $0xFFFFFEF7, lr;
	s5 =	simm.s32 $0xFFFFFFFF;
	p2 =	slt.u32 s8, $0xFFFFF086  }
0x1c: {  	p1 =	slt.u32 s9, $0xF7A;
	s5 =	simm.s32 @!p2 $0x0  }
0x1d: {  	s5 =	simm.s32 @p1 $0x1;
	p0 =	seq.s32 s7, s2  }
0x1e: {  	s7 =	smul.u32 @!p0 $0xF7A, s2;
	p2 =	seq.s32 @!p0 s5, $0x0  }
0x1f: {  	s9 =	smul.u32 $0xF7A, s1;
	s8 =	simm.s32 @!p0 $0x1BF5;
	p2 =	por !p2, p0  }
0x20: {  	[sflag:s8] =	ssyncset.s32 @!p0 $0xFFFFF086;
	s6 =	sadd.s32 @!p0 s3, s7;
	s7 =	simm.s32 @!p0 $0x108  }
0x21: {  	s3 =	sadd.s32 s3, s9;
	s6 =	sadd.s32 @!p0 $0x88, s6;
	s7 =	simm.s32 @p2 $0x1082  }
0x22: {  	[simem:s7], [sflag:s8] =	dma.local @!p0 [hbm:s6], $0xF7A  }
0x23: {  	s9 =	sor.u32 $0xD0000000, s2;
	s6 =	simm.s32 $0x108;
	_ =	swait.ge @!p0 [sflag:s8], $0x0  }
0x24: {  	s3 =	sadd.s32 $0x88, s3;
	s6 =	simm.s32 @!p1 $0x1082;
	[sflag:s4] =	ssyncset.s32 $0xFFFFF086  }
0x25: {  	[simem:s6], [sflag:s4] =	dma.local [hbm:s3], $0xF7A  }
0x26: {  	[smem:$0x3F9F] =	sst s1;
	(tag) =	ssettag s2;
	_ =	strace s9  }
0x27: {  	s1 =	sld [smem:$0x3FAF]  }
0x28: {  	s2 =	sld [smem:$0x3FB0]  }
0x29: {  	s4 =	sld [smem:$0x3FB2]  }
0x2a: {  	p0 =	seq.s32 s5, $0x0;
	s5 =	sld [smem:$0x3FB3]  }
0x2b: {  	s6 =	sld [smem:$0x3FB4]  }
0x2c: {  	s7 =	sld [smem:$0x3FB5]  }
0x2d: {  	s3 =	simm.s32 $0x108;
	s8 =	sld [smem:$0x3FB6]  }
0x2e: {  	s3 =	simm.s32 @!p0 $0x1082;
	s9 =	sld [smem:$0x3FB7]  }
0x2f: {  	lr =	sadd.s32 s0, s3;
	s0 =	sld [smem:$0x3FAE]  }
0x30: {  	s3 =	sld [smem:$0x3FB1]  }
0x31: {  	[smem:$0x3FBA] =	sst s10  }
0x32: {  	s10 =	sld [smem:$0x3FB8];
	_ =	sdelay $0x3  }
0x33: {  	p0 =	seq.s32 s10, $0x1;
	s10 =	sld [smem:$0x3FBA];
	_ =	sdelay $0x3  }
0x34: {  	[smem:$0x3FBA] =	sst s10  }
0x35: {  	s10 =	sld [smem:$0x3FB9];
	_ =	sdelay $0x3  }
0x36: {  	p1 =	seq.s32 s10, $0x1;
	s10 =	sld [smem:$0x3FBA];
	_ =	sdelay $0x3  }
0x37: {  	[smem:$0x3FBA] =	sst s10  }
0x38: {  	s10 =	sld [smem:$0x3FBB]  }
0x39: {  	_ = 	snop;
	(pc) =	sbr.ind lr, $3  }
0x3a: {  	_ = 	snop  }
0x3b: {  	_ = 	snop  }
0x3c: {  	p2 =	seq.s32 s10, $0x1;
	s10 =	sld [smem:$0x3FBA]  }
0x3d: {  	_ =	shalt  }
0x3e: {  	_ =	shalt  }
0x3f: {  	_ =	shalt  }
0x40: {  	_ =	shalt  }
0x41: {  	_ =	shalt  }
0x42: {  	_ =	shalt  }
0x43: {  	_ =	shalt  }
0x44: {  	_ =	shalt  }
0x45: {  	_ =	shalt  }
0x46: {  	_ =	shalt  }
0x47: {  	_ =	shalt  }
0x48: {  	_ =	shalt  }
0x49: {  	_ =	shalt  }
0x4a: {  	_ =	shalt  }
0x4b: {  	_ =	shalt  }
0x4c: {  	_ =	shalt  }
0x4d: {  	_ =	shalt  }
0x4e: {  	_ =	shalt  }
0x4f: {  	_ =	shalt  }
0x50: {  	_ =	shalt  }
0x51: {  	_ =	shalt  }
0x52: {  	_ =	shalt  }
0x53: {  	_ =	shalt  }
0x54: {  	_ =	shalt  }
0x55: {  	_ =	shalt  }
0x56: {  	_ =	shalt  }
0x57: {  	_ =	shalt  }
0x58: {  	_ =	shalt  }
0x59: {  	_ =	shalt  }
0x5a: {  	_ =	shalt  }
0x5b: {  	_ =	shalt  }
0x5c: {  	_ =	shalt  }
0x5d: {  	_ =	shalt  }
0x5e: {  	_ =	shalt  }
0x5f: {  	_ =	shalt  }
0x60: {  	_ =	shalt  }
0x61: {  	_ =	shalt  }
0x62: {  	_ =	shalt  }
0x63: {  	_ =	shalt  }
0x64: {  	_ =	shalt  }
0x65: {  	_ =	shalt  }
0x66: {  	_ =	shalt  }
0x67: {  	_ =	shalt  }
0x68: {  	_ =	shalt  }
0x69: {  	_ =	shalt  }
0x6a: {  	_ =	shalt  }
0x6b: {  	_ =	shalt  }
0x6c: {  	_ =	shalt  }
0x6d: {  	_ =	shalt  }
0x6e: {  	_ =	shalt  }
0x6f: {  	_ =	shalt  }
0x70: {  	_ =	shalt  }
0x71: {  	_ =	shalt  }
0x72: {  	_ =	shalt  }
0x73: {  	_ =	shalt  }
0x74: {  	_ =	shalt  }
0x75: {  	_ =	shalt  }
0x76: {  	_ =	shalt  }
0x77: {  	_ =	shalt  }
0x78: {  	_ =	shalt  }
0x79: {  	_ =	shalt  }
0x7a: {  	_ =	shalt  }
0x7b: {  	_ =	shalt  }
0x7c: {  	_ =	shalt  }
0x7d: {  	_ =	shalt  }
0x7e: {  	_ =	shalt  }
0x7f: {  	_ =	shalt  }
0x80: {  	_ =	shalt  }
0x81: {  	_ =	shalt  }
0x82: {  	_ =	shalt  }
0x83: {  	_ =	shalt  }
0x84: {  	_ =	shalt  }
0x85: {  	_ =	shalt  }
0x86: {  	_ =	shalt  }
0x87: {  	_ =	shalt  }
.Lfunc_end0:
.L_simem_size_0:
called_computation.1_lowered:
.L_overlay_start_0:
0x88: {  	s2 =	sld [smem:$0x3FD9]  }
0x89: {  	s3 =	sld [smem:$0x3FFE];
	_ =	sdelay $0x1  }
0x8a: {  	s1 =	srdreg.scid  }
0x8b: {  	s0 =	sand.u32 $0x1, s1  }
0x8c: {  	s17 =	sshll.u32 s0, $0xA;
	s2 =	sadd.s32 s3, s2  }
0x8d: {  	s2 =	sadd.s32 s2, s17  }
0x8e: {  	[smem:$0x3FC6] =	sst s2  }
0x8f: {  	_ = 	snop  }
0x90: {  	s2 =	sld [smem:$0x3FD0];
	(tm) =	ssettm $0x1  }
0x91: {  	s18 =	sld [smem:$0x3FFB];
	_ =	sdelay $0x3  }
0x92: {  	_ =	strace s18  }
0x93: {  	s3 =	sld [smem:$0x3FFC];
	_ =	sdelay $0x3  }
0x94: {  	_ =	strace s3  }
0x95: {  	s3 =	sld [smem:$0x3FFD];
	_ =	sdelay $0x3  }
0x96: {  	_ =	strace s3  }
0x97: {  	_ =	strace $0x8FFFFFFF  }
0x98: {  	s19 =	sld [smem:$0x3FDB];
	_ =	sdelay $0x1  }
0x99: {  	s4 =	simm.s32 $_scs_section_size  }
0x9a: {  	s5 =	simm.s32 $_size__tile_overlayer_lowered;
	s6 =	simm.s32 $_tile_overlayer_lowered  }
0x9b: {  	s22 =	simm.s32 $0x1BFF;
	s21 =	sshll.u32 s6, $0x1;
	s3 =	sadd.s32 s4, s19  }
0x9c: {  	s7 =	simm.s32 $0x0;
	s20 =	sshll.u32 s5, $0x1;
	s5 =	sadd.s32 s21, s3  }
0x9d: {  	[timem:s7], [sflag:s22] =	dma.local [hbm:s5], s20  }
0x9e: {  	_ =	swait.ge [sflag:s22], s20  }
0x9f: {  	s4 =	ssub.s32 $0x0, s20;
	[sflag:s22] =	ssyncset.done $0x0  }
0xa0: {  	[sflag:s22] =	ssyncadd.s32 s4;
	_ =	sdelay $0x1  }
0xa1: {  	s23 =	simm.s32 $0x1B8B  }
0xa2: {  	_ =	swait.ge [sflag:s23], $0x1  }
0xa3: {  	[sflag:s23] =	ssyncset.done $0x0  }
0xa4: {  	s25 =	simm.s32 $0x1B8E;
	s24 =	sld [smem:$0x3FFE];
	[sflag:s23] =	ssyncadd.s32 $0xFFFFFFFF  }
0xa5: {  	s26 =	simm.s32 $execute0_lowered;
	[smem:$0x3FD2] =	sst s25  }
0xa6: {  	s5 =	sshll.u32 s26, $0x1;
	_ =	strace $0x80000046;
	[dreg:$0x1] =	wrdreg $0xFFFFFFFF  }
0xa7: {  	s28 =	simm.s32 $_size_execute0_lowered;
	s3 =	sadd.s32 s3, s5;
	[dreg:$0x0] =	wrdreg $0x0  }
0xa8: {  	s5 =	sshll.u32 s28, $0x1;
	[dreg:$0x2] =	wrdreg s3  }
0xa9: {  	[dreg:$0x3] =	wrdreg s5  }
0xaa: {  	[dreg:$0x4] =	wrdreg $0xC0  }
0xab: {  	_ =	task [dreg:s7], $0x5FFFF  }
0xac: {  	[dreg:$0x1] =	wrdreg $0xFFFFFFFF  }
0xad: {  	[dreg:$0x0] =	wrdreg $0x60  }
0xae: {  	[dreg:$0x2] =	wrdreg s24  }
0xaf: {  	[dreg:$0x3] =	wrdreg s2  }
0xb0: {  	[dreg:$0x4] =	wrdreg $0x9  }
0xb1: {  	_ =	task.clear_ibuf [dreg:s7], $0x5FFFF;
	_ =	strace $0x90000046  }
0xb2: {  	s29 =	simm.s32 $0x9;
	_ =	strace $0x80000048  }
0xb3: {  	_ =	swait.ge [sflag:s29], $0x1  }
0xb4: {  	[sflag:s29] =	ssyncadd.s32 $0xFFFFFFFF  }
0xb5: {  	_ =	strace $0x90000048  }
0xb6: {  	_ =	sfence  }
0xb7: {  	s30 =	sld [smem:$0x0];
	_ =	sdelay $0x2  }
0xb8: {  	s31 =	sshll.u32 s1, $0xD;
	s1 =	sshrl.u32 s1, $0x2  }
0xb9: {  	s3 =	sand.u32 $0x4000, s31;
	s1 =	sadd.s32 s1, s30  }
0xba: {  	s0 =	sor.u32 s3, s0;
	s1 =	sshll.u32 s1, $0x11  }
0xbb: {  	s0 =	sor.u32 s1, s0  }
0xbc: {  	s0 =	sadd.s32 $0x8F2B, s0  }
0xbd: {  	[sflag:s0] =	ssyncadd.remote.s32 $0x1  }
0xbe: {  	_ =	sfence.sel $0xFFFF  }
0xbf: {  	[dreg:$0x0] =	wrdreg $0xFFFFFFFF;
	(pc) =	sbr.abs _section_cstart, $3  }
0xc0: {  	[dreg:$0x1] =	wrdreg $0xFFFFFFFF  }
0xc1: {  	_ =	task.clear_ibuf [dreg:s7], $0x2FFFF;
	_ =	strace $0x9FFFFFFF  }
0xc2: {  	(tm) =	ssettm $0x7FFFFFFF  }
0xc3: {  	_ =	shalt  }
tec
execute0_lowered:
.L_overlay_start_1:
0x0: {  	(tag) =	ssettag $0x1  }
0x1: {  	s6 =	rddreg [dreg:$0x0];
	s1 =	srdreg.scid  }
0x2: {  	s0 =	stileid.u32;
	s2 =	rddreg [dreg:$0x1];
	s3 =	simm.s32 $0x0  }
0x3: {  	s13 =	simm.s32 $0x3;
	s14 =	simm.s32 $0x320;
	s15 =	simm.s32 $0x640  }
0x4: {  	s16 =	simm.s32 $0xCE40;
	s5 =	sand.u32 $0x1, s1;
	s4 =	sshll.u32 s0, $0x1  }
0x5: {  	s17 =	simm.s32 $0x1;
	s18 =	simm.s32 $0x2;
	s4 =	sor.u32 s5, s4  }
0x6: {  	s19 =	simm.s32 $0x0;
	s1 =	rddreg [dreg:$0x2];
	s4 =	smul.u32 $0x6400, s4  }
.Ltmp0:
0x7: {  	[smem:$0x7FF] =	sst s3;
	s7 =	ssub.s32 $0x2, s5;
	(pc) =	sbr.rel .LBB2_1-.Ltmp0, $4  }
0x8: {  	_ =	strace $0x80000047;
	s5 =	sadd.s32 $0xA00, s6;
	s8 =	sshrl.u32 s7, $0x1  }
0x9: {  	s6 =	sadd.s32 $0xF42E00, s6;
	s12 =	ssub.s32 s7, s8;
	s9 =	sshrl.u32 s4, $0x3  }
0xa: {  	s10 =	sor.u32 $0x320, s4;
	s11 =	sadd.s32 $0x960, s4;
	s7 =	sadd.s32 s5, s9  }
0xb: {  	s12 =	smax.u32 s12, $0x1;
	s9 =	sadd.s32 $0x640, s4;
	s8 =	sadd.s32 $0x64, s7  }
.LBB2_14:
0xc: {  	s19 =	sadd.s32 $0x1, s19  }
0xd: {  	p0 =	sne.s32 s19, s12  }
.Ltmp1:
0xe: {  	_ = 	snop;
	(pc) =	sbr.rel @!p0 .LBB2_15-.Ltmp1, $1  }
0xf: {  	_ =	sdelay $0x3  }
.LBB2_1:
0x10: {  	[tilespmem:s3], [sflag:$0x3] =	stream.linear.gather [hbm4b:s7+s3], $0x320, $0x38;
	[tilespmem:$0x19640] =	vst v63  }
0x11: {  	_ =	swait.ge [sflag:s13], $0x320  }
0x12: {  	[sflag:s13] =	ssyncset.done $0x0  }
0x13: {  	s20 =	simm.s32 $0x20;
	[sflag:s13] =	ssyncadd.s32 $0xFFFFFCE0  }
0x14: {  	v2 =	vld [tilespmem:s20+$0xFFFFFFE0]  }
0x15: {  	v3 =	vld [tilespmem:s20+$0x0]  }
0x16: {  	v0 =	vld [tilespmem:s20+$0x10]  }
0x17: {  	v1 =	vld [tilespmem:s20+$0xFFFFFFF0];
	_ =	sdelay $0x1  }
0x18: {  	vm0 =	vgt.s32 v2, $0xF423F  }
0x19: {  	v2 =	vsel vm0, $0x0, v2;
	vm0 =	vgt.s32 v3, $0xF423F  }
0x1a: {  	s21 =	simm.s32 $0x0;
	s22 =	simm.s32 $0x60;
	[tilespmem:s20+$0xFFFFFFE0] =	vst v2;
	v2 =	vsel vm0, $0x0, v3;
	vm0 =	vgt.s32 v0, $0xF423F  }
.LBB2_2:
0x1b: {  	v3 =	vld [tilespmem:s22+$0xFFFFFFE0];
	vm1 =	vgt.s32 v1, $0xF423F;
	[tilespmem:s20+$0x0] =	vst v2;
	v0 =	vsel vm0, $0x0, v0  }
0x1c: {  	s21 =	sadd.s32 $0x4, s21;
	v2 =	vld [tilespmem:s22+$0x0];
	v1 =	vsel vm1, $0x0, v1;
	[tilespmem:s20+$0x10] =	vst v0  }
0x1d: {  	p0 =	slt.u32 s21, $0x2C;
	v0 =	vld [tilespmem:s22+$0x10];
	[tilespmem:s20+$0xFFFFFFF0] =	vst v1;
	s20 =	smov.u32 s22  }
.Ltmp2:
0x1e: {  	v1 =	vld [tilespmem:s22+$0xFFFFFFF0];
	(pc) =	sbr.rel @p0 .LBB2_2-.Ltmp2, $4  }
0x1f: {  	_ = 	snop  }
0x20: {  	vm0 =	vgt.s32 v3, $0xF423F  }
0x21: {  	v3 =	vsel vm0, $0x0, v3;
	vm0 =	vgt.s32 v2, $0xF423F  }
0x22: {  	s22 =	sadd.s32 $0x40, s22;
	[tilespmem:s20+$0xFFFFFFE0] =	vst v3;
	v2 =	vsel vm0, $0x0, v2;
	vm0 =	vgt.s32 v0, $0xF423F  }
0x23: {  	vm1 =	vgt.s32 v1, $0xF423F;
	[tilespmem:s20+$0x0] =	vst v2;
	v0 =	vsel vm0, $0x0, v0  }
0x24: {  	v1 =	vsel vm1, $0x0, v1;
	[tilespmem:s20+$0x10] =	vst v0  }
0x25: {  	[tilespmem:s20+$0xFFFFFFF0] =	vst v1  }
0x26: {  	v0 =	vld [tilespmem:$0x300]  }
0x27: {  	v1 =	vld [tilespmem:$0x310];
	_ =	sdelay $0x3  }
0x28: {  	vm0 =	vgt.s32 v0, $0xF423F  }
0x29: {  	v0 =	vsel vm0, $0x0, v0;
	vm0 =	vgt.s32 v1, $0xF423F  }
0x2a: {  	[tilespmem:$0x300] =	vst v0;
	v0 =	vsel vm0, $0x0, v1  }
0x2b: {  	[tilespmem:$0x310] =	vst v0  }
0x2c: {  	[tilespmem:s15], [sflag:$0x1] =	stream.indirect.gather [hbm4b:s6+s14], $0x40, s3, s14, $0xb8;
	[tilespmem:$0x19640] =	vst v63  }
0x2d: {  	_ = 	snop  }
0x2e: {  	[tilespmem:s14], [sflag:$0x3] =	stream.linear.gather [hbm4b:s8+s3], $0x320, $0x38;
	[tilespmem:$0x19640] =	vst v63  }
0x2f: {  	_ =	swait.ge [sflag:s13], $0x320  }
0x30: {  	[sflag:s13] =	ssyncset.done $0x0  }
0x31: {  	s20 =	simm.s32 $0x350;
	[sflag:s13] =	ssyncadd.s32 $0xFFFFFCE0  }
0x32: {  	v2 =	vld [tilespmem:s20+$0xFFFFFFD0]  }
0x33: {  	v3 =	vld [tilespmem:s20+$0xFFFFFFE0]  }
0x34: {  	v0 =	vld [tilespmem:s20+$0x0]  }
0x35: {  	v1 =	vld [tilespmem:s20+$0xFFFFFFF0];
	_ =	sdelay $0x1  }
0x36: {  	vm0 =	vgt.s32 v2, $0xF423F  }
0x37: {  	v2 =	vsel vm0, $0x0, v2;
	vm0 =	vgt.s32 v3, $0xF423F  }
0x38: {  	s21 =	simm.s32 $0x0;
	s22 =	simm.s32 $0x390;
	[tilespmem:s20+$0xFFFFFFD0] =	vst v2;
	v2 =	vsel vm0, $0x0, v3;
	vm0 =	vgt.s32 v0, $0xF423F  }
.LBB2_4:
0x39: {  	v3 =	vld [tilespmem:s22+$0xFFFFFFD0];
	[tilespmem:s20+$0xFFFFFFE0] =	vst v2;
	vm1 =	vgt.s32 v1, $0xF423F;
	v0 =	vsel vm0, $0x0, v0  }
0x3a: {  	s21 =	sadd.s32 $0x4, s21;
	v2 =	vld [tilespmem:s22+$0xFFFFFFE0];
	v1 =	vsel vm1, $0x0, v1;
	[tilespmem:s20+$0x0] =	vst v0  }
0x3b: {  	p0 =	slt.u32 s21, $0x2C;
	v0 =	vld [tilespmem:s22+$0x0];
	[tilespmem:s20+$0xFFFFFFF0] =	vst v1;
	s20 =	smov.u32 s22  }
.Ltmp3:
0x3c: {  	v1 =	vld [tilespmem:s22+$0xFFFFFFF0];
	(pc) =	sbr.rel @p0 .LBB2_4-.Ltmp3, $4  }
0x3d: {  	_ = 	snop  }
0x3e: {  	vm0 =	vgt.s32 v3, $0xF423F  }
0x3f: {  	v3 =	vsel vm0, $0x0, v3;
	vm0 =	vgt.s32 v2, $0xF423F  }
0x40: {  	s22 =	sadd.s32 $0x40, s22;
	[tilespmem:s20+$0xFFFFFFD0] =	vst v3;
	v2 =	vsel vm0, $0x0, v2;
	vm0 =	vgt.s32 v0, $0xF423F  }
0x41: {  	[tilespmem:s20+$0xFFFFFFE0] =	vst v2;
	vm1 =	vgt.s32 v1, $0xF423F;
	v0 =	vsel vm0, $0x0, v0  }
0x42: {  	v1 =	vsel vm1, $0x0, v1;
	[tilespmem:s20+$0x0] =	vst v0  }
0x43: {  	[tilespmem:s20+$0xFFFFFFF0] =	vst v1  }
0x44: {  	v0 =	vld [tilespmem:$0x620]  }
0x45: {  	v1 =	vld [tilespmem:$0x630];
	_ =	sdelay $0x3  }
0x46: {  	vm14 =	vgt.s32 v0, $0xF423F  }
0x47: {  	vm15 =	vgt.s32 v1, $0xF423F;
	v0 =	vsel vm14, $0x0, v0  }
0x48: {  	v63 =	vsel vm15, $0x0, v1;
	[tilespmem:$0x620] =	vst v0  }
0x49: {  	s20 =	simm.s32 $0x0;
	[tilespmem:$0x630] =	vst v63  }
0x4a: {  	[tilespmem:s16], [sflag:$0x2] =	stream.indirect.gather [hbm4b:s6+s14], $0x40, s14, s14, $0xb8;
	[tilespmem:$0x19640] =	vst v63  }
.LBB2_6:
0x4b: {  	s21 =	smul.u32 $0x640, s20;
	_ =	sdelay $0x1  }
0x4c: {  	_ =	swait.ge [sflag:s17], $0xC800;
	s22 =	sadd.s32 s4, s21  }
0x4d: {  	p0 =	seq.s32 s20, $0xF;
	[sflag:s17] =	ssyncset.done $0x0;
	s22 =	sshll.u32 s22, $0x3  }
.Ltmp4:
0x4e: {  	[sflag:s17] =	ssyncadd.s32 $0xFFFF3800;
	s22 =	sadd.s32 s2, s22;
	(pc) =	sbr.rel @p0 .LBB2_10-.Ltmp4, $4  }
0x4f: {  	[hbm4b:s22+s3] =	stream.linear.scatter [tilespmem:s15], [sflag:$0x3], $0xC800, $0x38;
	[tilespmem:$0x19640] =	vst v63  }
0x50: {  	_ =	swait.ge [sflag:s13], $0xC800  }
0x51: {  	[sflag:s13] =	ssyncset.done $0x0  }
0x52: {  	[sflag:s13] =	ssyncadd.s32 $0xFFFF3800  }
0x53: {  	s22 =	sadd.s32 s21, s9  }
0x54: {  	s22 =	sshrl.u32 s22, $0x3  }
0x55: {  	s22 =	sadd.s32 s5, s22  }
0x56: {  	[tilespmem:s3], [sflag:$0x3] =	stream.linear.gather [hbm4b:s22+s3], $0x320, $0x38;
	[tilespmem:$0x19640] =	vst v63  }
0x57: {  	_ =	swait.ge [sflag:s13], $0x320  }
0x58: {  	[sflag:s13] =	ssyncset.done $0x0  }
0x59: {  	s22 =	simm.s32 $0x20;
	[sflag:s13] =	ssyncadd.s32 $0xFFFFFCE0  }
0x5a: {  	v2 =	vld [tilespmem:s22+$0xFFFFFFE0]  }
0x5b: {  	v3 =	vld [tilespmem:s22+$0x0]  }
0x5c: {  	v0 =	vld [tilespmem:s22+$0x10]  }
0x5d: {  	v1 =	vld [tilespmem:s22+$0xFFFFFFF0];
	_ =	sdelay $0x1  }
0x5e: {  	vm0 =	vgt.s32 v2, $0xF423F  }
0x5f: {  	v2 =	vsel vm0, $0x0, v2;
	vm0 =	vgt.s32 v3, $0xF423F  }
0x60: {  	s23 =	simm.s32 $0x0;
	s24 =	simm.s32 $0x60;
	[tilespmem:s22+$0xFFFFFFE0] =	vst v2;
	v2 =	vsel vm0, $0x0, v3;
	vm0 =	vgt.s32 v0, $0xF423F  }
.LBB2_8:
0x61: {  	v3 =	vld [tilespmem:s24+$0xFFFFFFE0];
	vm1 =	vgt.s32 v1, $0xF423F;
	[tilespmem:s22+$0x0] =	vst v2;
	v0 =	vsel vm0, $0x0, v0  }
0x62: {  	s23 =	sadd.s32 $0x4, s23;
	v2 =	vld [tilespmem:s24+$0x0];
	v1 =	vsel vm1, $0x0, v1;
	[tilespmem:s22+$0x10] =	vst v0  }
0x63: {  	p1 =	slt.u32 s23, $0x2C;
	v0 =	vld [tilespmem:s24+$0x10];
	[tilespmem:s22+$0xFFFFFFF0] =	vst v1;
	s22 =	smov.u32 s24  }
.Ltmp5:
0x64: {  	v1 =	vld [tilespmem:s24+$0xFFFFFFF0];
	(pc) =	sbr.rel @p1 .LBB2_8-.Ltmp5, $4  }
0x65: {  	_ = 	snop  }
0x66: {  	vm0 =	vgt.s32 v3, $0xF423F  }
0x67: {  	v3 =	vsel vm0, $0x0, v3;
	vm0 =	vgt.s32 v2, $0xF423F  }
0x68: {  	s24 =	sadd.s32 $0x40, s24;
	[tilespmem:s22+$0xFFFFFFE0] =	vst v3;
	v2 =	vsel vm0, $0x0, v2;
	vm0 =	vgt.s32 v0, $0xF423F  }
0x69: {  	vm1 =	vgt.s32 v1, $0xF423F;
	[tilespmem:s22+$0x0] =	vst v2;
	v0 =	vsel vm0, $0x0, v0  }
0x6a: {  	v1 =	vsel vm1, $0x0, v1;
	[tilespmem:s22+$0x10] =	vst v0  }
0x6b: {  	[tilespmem:s22+$0xFFFFFFF0] =	vst v1  }
0x6c: {  	v0 =	vld [tilespmem:$0x300]  }
0x6d: {  	v1 =	vld [tilespmem:$0x310];
	_ =	sdelay $0x3  }
0x6e: {  	vm14 =	vgt.s32 v0, $0xF423F  }
0x6f: {  	vm15 =	vgt.s32 v1, $0xF423F;
	v0 =	vsel vm14, $0x0, v0  }
0x70: {  	v63 =	vsel vm15, $0x0, v1;
	[tilespmem:$0x300] =	vst v0  }
0x71: {  	[tilespmem:$0x310] =	vst v63  }
0x72: {  	[tilespmem:s15], [sflag:$0x1] =	stream.indirect.gather [hbm4b:s6+s14], $0x40, s3, s14, $0xb8;
	[tilespmem:$0x19640] =	vst v63  }
.LBB2_10:
0x73: {  	s22 =	sadd.s32 s21, s10  }
0x74: {  	_ =	swait.ge [sflag:s18], $0xC800;
	s22 =	sshll.u32 s22, $0x3  }
0x75: {  	[sflag:s18] =	ssyncset.done $0x0;
	s22 =	sand.u32 $0x1FFFFF00, s22  }
.Ltmp6:
0x76: {  	[sflag:s18] =	ssyncadd.s32 $0xFFFF3800;
	s22 =	sadd.s32 s2, s22;
	(pc) =	sbr.rel @p0 .LBB2_14-.Ltmp6, $4  }
0x77: {  	[hbm4b:s22+s3] =	stream.linear.scatter [tilespmem:s16], [sflag:$0x3], $0xC800, $0x38;
	[tilespmem:$0x19640] =	vst v63  }
0x78: {  	_ =	swait.ge [sflag:s13], $0xC800  }
0x79: {  	[sflag:s13] =	ssyncset.done $0x0  }
0x7a: {  	[sflag:s13] =	ssyncadd.s32 $0xFFFF3800  }
0x7b: {  	s21 =	sadd.s32 s21, s11  }
0x7c: {  	s21 =	sshrl.u32 s21, $0x3  }
0x7d: {  	s21 =	sadd.s32 s5, s21  }
0x7e: {  	[tilespmem:s14], [sflag:$0x3] =	stream.linear.gather [hbm4b:s21+s3], $0x320, $0x38;
	[tilespmem:$0x19640] =	vst v63  }
0x7f: {  	_ =	swait.ge [sflag:s13], $0x320  }
0x80: {  	[sflag:s13] =	ssyncset.done $0x0  }
0x81: {  	s21 =	simm.s32 $0x350;
	[sflag:s13] =	ssyncadd.s32 $0xFFFFFCE0  }
0x82: {  	v2 =	vld [tilespmem:s21+$0xFFFFFFD0]  }
0x83: {  	v3 =	vld [tilespmem:s21+$0xFFFFFFE0]  }
0x84: {  	v0 =	vld [tilespmem:s21+$0x0]  }
0x85: {  	v1 =	vld [tilespmem:s21+$0xFFFFFFF0];
	_ =	sdelay $0x1  }
0x86: {  	vm0 =	vgt.s32 v2, $0xF423F  }
0x87: {  	v2 =	vsel vm0, $0x0, v2;
	vm0 =	vgt.s32 v3, $0xF423F  }
0x88: {  	s22 =	simm.s32 $0x0;
	s23 =	simm.s32 $0x390;
	[tilespmem:s21+$0xFFFFFFD0] =	vst v2;
	v2 =	vsel vm0, $0x0, v3;
	vm0 =	vgt.s32 v0, $0xF423F  }
.LBB2_12:
0x89: {  	v3 =	vld [tilespmem:s23+$0xFFFFFFD0];
	[tilespmem:s21+$0xFFFFFFE0] =	vst v2;
	vm1 =	vgt.s32 v1, $0xF423F;
	v0 =	vsel vm0, $0x0, v0  }
0x8a: {  	s22 =	sadd.s32 $0x4, s22;
	v2 =	vld [tilespmem:s23+$0xFFFFFFE0];
	v1 =	vsel vm1, $0x0, v1;
	[tilespmem:s21+$0x0] =	vst v0  }
0x8b: {  	p0 =	slt.u32 s22, $0x2C;
	v0 =	vld [tilespmem:s23+$0x0];
	[tilespmem:s21+$0xFFFFFFF0] =	vst v1;
	s21 =	smov.u32 s23  }
.Ltmp7:
0x8c: {  	v1 =	vld [tilespmem:s23+$0xFFFFFFF0];
	(pc) =	sbr.rel @p0 .LBB2_12-.Ltmp7, $4  }
0x8d: {  	_ = 	snop  }
0x8e: {  	vm0 =	vgt.s32 v3, $0xF423F  }
0x8f: {  	v3 =	vsel vm0, $0x0, v3;
	vm0 =	vgt.s32 v2, $0xF423F  }
0x90: {  	s23 =	sadd.s32 $0x40, s23;
	[tilespmem:s21+$0xFFFFFFD0] =	vst v3;
	v2 =	vsel vm0, $0x0, v2;
	vm0 =	vgt.s32 v0, $0xF423F  }
0x91: {  	[tilespmem:s21+$0xFFFFFFE0] =	vst v2;
	vm1 =	vgt.s32 v1, $0xF423F;
	v0 =	vsel vm0, $0x0, v0  }
0x92: {  	v1 =	vsel vm1, $0x0, v1;
	[tilespmem:s21+$0x0] =	vst v0  }
0x93: {  	[tilespmem:s21+$0xFFFFFFF0] =	vst v1  }
0x94: {  	v0 =	vld [tilespmem:$0x620]  }
0x95: {  	v1 =	vld [tilespmem:$0x630];
	_ =	sdelay $0x3  }
.Ltmp8:
0x96: {  	vm14 =	vgt.s32 v0, $0xF423F;
	(pc) =	sbr.rel .LBB2_6-.Ltmp8, $4  }
0x97: {  	vm15 =	vgt.s32 v1, $0xF423F;
	v0 =	vsel vm14, $0x0, v0  }
0x98: {  	v63 =	vsel vm15, $0x0, v1;
	[tilespmem:$0x620] =	vst v0  }
0x99: {  	s20 =	sadd.s32 $0x1, s20;
	[tilespmem:$0x630] =	vst v63  }
0x9a: {  	[tilespmem:s16], [sflag:$0x2] =	stream.indirect.gather [hbm4b:s6+s14], $0x40, s14, s14, $0xb8;
	[tilespmem:$0x19640] =	vst v63  }
.LBB2_15:
0x9b: {  	_ =	sfence.sel $0x180000  }
0x9c: {  	[bflag:$0x0] =	sbarrier.arrive $0xFFFF  }
0x9d: {  	p0 =	sne.s32 s0, $0x0;
	_ =	strace $0x90000047  }
0x9e: {  	s0 =	sadd.s32 @!p0 $0x100000, s1;
	[bflag:$0x2] =	sbarrier.arrive $0xFFFF  }
0x9f: {  	[sflag:s0] =	ssyncadd.tile.s32 @!p0 $0x1;
	_ =	shalt  }
.Lfunc_end2:
_tile_overlayer_lowered:
.L_overlay_start_2:
0xa0: {  	(tag) =	ssettag $0x2  }
0xa1: {  	s0 =	rddreg [dreg:$0x0];
	s2 =	stileid.u32  }
0xa2: {  	s1 =	rddreg [dreg:$0x1];
	p0 =	sne.s32 s2, $0x0  }
0xa3: {  	s3 =	rddreg [dreg:$0x2];
	[bflag:$0x3] =	sbarrier.arrive $0xFFFF;
	s2 =	simm.s32 @!p0 $0x1C03  }
0xa4: {  	[timem:s3], [sflag:s2] =	dma.local @!p0 [hbm:s0], s1  }
0xa5: {  	s0 =	simm.s32 @!p0 $0x3  }
0xa6: {  	_ =	swait.ge @!p0 [sflag:s0], s1  }
0xa7: {  	s1 =	ssub.s32 @!p0 $0x0, s1;
	[sflag:s0] =	ssyncset.done @!p0 $0x0  }
0xa8: {  	[sflag:s0] =	ssyncadd.s32 @!p0 s1  }
0xa9: {  	[bflag:$0x3] =	sbarrier.arrive $0xFFFF  }
0xaa: {  	_ =	shalt  }

// kernel: sparse-core-data-format-call.cloned.1.call-start
scs
called_computation_lowered:
.L_overlay_start_0:
0x0: {  	s2 =	sld [smem:$0x3FD9]  }
0x1: {  	s3 =	sld [smem:$0x3FFE];
	_ =	sdelay $0x1  }
0x2: {  	s1 =	srdreg.scid  }
0x3: {  	s0 =	sand.u32 $0x1, s1  }
0x4: {  	s18 =	sshll.u32 s0, $0xA;
	s2 =	sadd.s32 s3, s2  }
0x5: {  	s2 =	sadd.s32 s2, s18  }
0x6: {  	[smem:$0x3FC6] =	sst s2  }
0x7: {  	_ = 	snop  }
0x8: {  	s2 =	sld [smem:$0x3FD0];
	(tm) =	ssettm $0x1  }
0x9: {  	s19 =	sld [smem:$0x3FFB];
	_ =	sdelay $0x3  }
0xa: {  	_ =	strace s19  }
0xb: {  	s3 =	sld [smem:$0x3FFC];
	_ =	sdelay $0x3  }
0xc: {  	_ =	strace s3  }
0xd: {  	s3 =	sld [smem:$0x3FFD];
	_ =	sdelay $0x3  }
0xe: {  	_ =	strace s3  }
0xf: {  	_ =	strace $0x8FFFFFFF  }
0x10: {  	s20 =	sld [smem:$0x3FDB];
	_ =	sdelay $0x1  }
0x11: {  	s4 =	simm.s32 $_scs_section_size  }
0x12: {  	s5 =	simm.s32 $_size__tile_overlayer_lowered;
	s6 =	simm.s32 $_tile_overlayer_lowered  }
0x13: {  	s23 =	simm.s32 $0x1BFF;
	s22 =	sshll.u32 s6, $0x1;
	s3 =	sadd.s32 s4, s20  }
0x14: {  	s7 =	simm.s32 $0x0;
	s21 =	sshll.u32 s5, $0x1;
	s5 =	sadd.s32 s22, s3  }
0x15: {  	[timem:s7], [sflag:s23] =	dma.local [hbm:s5], s21  }
0x16: {  	_ =	swait.ge [sflag:s23], s21  }
0x17: {  	s4 =	ssub.s32 $0x0, s21;
	[sflag:s23] =	ssyncset.done $0x0  }
0x18: {  	[sflag:s23] =	ssyncadd.s32 s4;
	_ =	sdelay $0x1  }
0x19: {  	s24 =	simm.s32 $0x1B8B  }
0x1a: {  	_ =	swait.ge [sflag:s24], $0x1  }
0x1b: {  	[sflag:s24] =	ssyncset.done $0x0  }
0x1c: {  	s26 =	simm.s32 $0x1B8E;
	s25 =	sld [smem:$0x3FFE];
	[sflag:s24] =	ssyncadd.s32 $0xFFFFFFFF  }
0x1d: {  	s27 =	simm.s32 $execute0_lowered;
	[smem:$0x3FD2] =	sst s26  }
0x1e: {  	s5 =	sshll.u32 s27, $0x1;
	_ =	strace $0x80000049;
	[dreg:$0x1] =	wrdreg $0xFFFFFFFF  }
0x1f: {  	s28 =	simm.s32 $_size_execute0_lowered;
	s3 =	sadd.s32 s3, s5;
	[dreg:$0x0] =	wrdreg $0x0  }
0x20: {  	s5 =	sshll.u32 s28, $0x1;
	[dreg:$0x2] =	wrdreg s3  }
0x21: {  	[dreg:$0x3] =	wrdreg s5  }
0x22: {  	[dreg:$0x4] =	wrdreg $0xC0  }
0x23: {  	_ =	task [dreg:s7], $0x5FFFF  }
0x24: {  	[dreg:$0x1] =	wrdreg $0xFFFFFFFF  }
0x25: {  	[dreg:$0x0] =	wrdreg $0x60  }
0x26: {  	[dreg:$0x2] =	wrdreg s25  }
0x27: {  	[dreg:$0x3] =	wrdreg s2  }
0x28: {  	[dreg:$0x4] =	wrdreg $0x9  }
0x29: {  	_ =	task.clear_ibuf [dreg:s7], $0x5FFFF;
	_ =	strace $0x90000049  }
0x2a: {  	s29 =	simm.s32 $0x9;
	_ =	strace $0x8000004B  }
0x2b: {  	_ =	swait.ge [sflag:s29], $0x1  }
0x2c: {  	[sflag:s29] =	ssyncadd.s32 $0xFFFFFFFF  }
0x2d: {  	_ =	strace $0x9000004B  }
0x2e: {  	_ =	sfence  }
0x2f: {  	s30 =	sld [smem:$0x0];
	_ =	sdelay $0x2  }
0x30: {  	s31 =	sshll.u32 s1, $0xD;
	s1 =	sshrl.u32 s1, $0x2  }
0x31: {  	s3 =	sand.u32 $0x4000, s31;
	s1 =	sadd.s32 s1, s30  }
0x32: {  	s0 =	sor.u32 s3, s0;
	s1 =	sshll.u32 s1, $0x11  }
0x33: {  	s0 =	sor.u32 s1, s0  }
0x34: {  	s0 =	sadd.s32 $0x8F2B, s0  }
0x35: {  	[sflag:s0] =	ssyncadd.remote.s32 $0x1  }
0x36: {  	_ =	sfence.sel $0xFFFF  }
0x37: {  	[dreg:$0x0] =	wrdreg $0xFFFFFFFF;
	(pc) =	sbr.abs _section_cstart, $3  }
0x38: {  	[dreg:$0x1] =	wrdreg $0xFFFFFFFF  }
0x39: {  	_ =	task.clear_ibuf [dreg:s7], $0x2FFFF;
	_ =	strace $0x9FFFFFFF  }
0x3a: {  	(tm) =	ssettm $0x7FFFFFFF  }
0x3b: {  	_ =	shalt  }
tec
execute0_lowered:
.L_overlay_start_1:
0x0: {  	(tag) =	ssettag $0x1  }
0x1: {  	s0 =	srdreg.scid  }
0x2: {  	s1 =	sshll.u32 s0, $0x4  }
0x3: {  	s0 =	stileid.u32;
	s1 =	sand.u32 $0x10, s1  }
0x4: {  	s1 =	sor.u32 s0, s1  }
0x5: {  	s6 =	rddreg [dreg:$0x0];
	s4 =	simm.s32 $0x1;
	s2 =	sshll.u32 s1, $0x7  }
0x6: {  	s7 =	simm.s32 $0x2;
	s12 =	simm.s32 $0x0;
	s1 =	ssub.s32 $0x4000, s2  }
0x7: {  	s8 =	simm.s32 $0x20000;
	s13 =	simm.s32 $0x0;
	s3 =	sand.u32 $0xF80, s1  }
0x8: {  	s9 =	simm.s32 $0x0;
	s5 =	sshrl.u32 s1, $0xC;
	p0 =	sne.s32 s3, $0x0  }
.Ltmp0:
0x9: {  	s1 =	rddreg [dreg:$0x2];
	s4 =	simm.s32 @!p0 $0x0;
	(pc) =	sbr.rel .LBB1_1-.Ltmp0, $4  }
0xa: {  	s11 =	simm.s32 $0x0;
	s3 =	rddreg [dreg:$0x1];
	s5 =	sadd.s32 s4, s5  }
0xb: {  	_ =	strace $0x8000004A;
	s4 =	simm.s32 $0x1;
	s5 =	smul.u32 $0x32, s5  }
0xc: {  	s6 =	sadd.s32 $0xA00, s6;
	s10 =	smov.u32 s2;
	[sflag:s4] =	ssyncpa.u1 $0x0  }
0xd: {  	p0 =	por $0x0, $0x0;
	[sflag:s7] =	ssyncpa.u1 $0x0;
	s7 =	sor.u32 $0x1, s5  }
.LBB1_4:
0xe: {  	s16 =	sshll.u32 s13, $0x3;
	s17 =	sand.u32 $0x78, s13  }
0xf: {  	s30 =	sand.u32 $0x1F800, s13;
	s12 =	sshll.u32 s12, $0x11;
	s16 =	sand.u32 $0x3C00, s16  }
0x10: {  	[tilespmem:s15+$0x810 ss:$0x81] =	vst.msk $0xffff, v2;
	s31 =	sand.u32 $0x7, s13;
	s16 =	sor.u32 s17, s16;
	s17 =	sadd.s32 s3, s30  }
0x11: {  	[tilespmem:s15+$0x1020 ss:$0x81] =	vst.msk $0xffff, v0;
	s13 =	sshll.u32 s31, $0x12;
	s12 =	sadd.s32 s12, s17;
	s16 =	sshrl.u32 s16, $0x3  }
0x12: {  	[tilespmem:s15+$0x0 ss:$0x81] =	vst.msk $0xffff, v1;
	s13 =	sor.u32 $0x400, s13;
	s12 =	sadd.s32 s16, s12  }
0x13: {  	[hbm4b:s12+s13] =	stream.strided.scatter [tilespmem:s14], [sflag:$0x2], $0x2000, s8, s13, $0x20;
	[tilespmem:$0x8080] =	vst v63  }
.LBB1_5:
0x14: {  	s14 =	sadd.s32 $0x1, s9  }
0x15: {  	s12 =	sadd.s32 $0x1000, s10;
	s16 =	smov.u32 s10;
	p2 =	sgt.s32 s14, $0x31  }
0x16: {  	s16 =	smov.u32 @p2 s12  }
0x17: {  	s14 =	simm.s32 @p2 $0x0;
	p2 =	sgt.s32 s16, $0x3FFF  }
0x18: {  	s16 =	smov.u32 @p2 s2;
	p2 =	sne.s32 s11, s7  }
.Ltmp1:
0x19: {  	p1 =	slt.u32 s11, $0x2;
	(pc) =	sbr.rel @!p2 .LBB1_6-.Ltmp1, $4  }
0x1a: {  	s15 =	simm.s32 @!p1 $0x2  }
0x1b: {  	s13 =	smov.u32 s10;
	p0 =	por !p0, !p0;
	_ =	swait.ge @!p1 [sflag:s15], $0x2000  }
0x1c: {  	s12 =	smov.u32 s9;
	[sflag:s15] =	ssyncset.done @!p1 $0x0;
	s9 =	smov.u32 s14  }
0x1d: {  	s11 =	sadd.s32 $0x1, s11;
	[sflag:s15] =	ssyncadd.s32 @!p1 $0xFFFFE000;
	s10 =	smov.u32 s16  }
.LBB1_1:
0x1e: {  	p1 =	sge.u32 s11, s5  }
0x1f: {  	s14 =	sand.u32 @!p1 $0x1FFFFFF, s9  }
0x20: {  	s15 =	smulhi.u32 @!p1 $0x4924925, s14;
	_ =	sdelay $0x1  }
0x21: {  	s15 =	smul.u32 @!p1 $0x38, s15  }
0x22: {  	s16 =	sxor.u32 @!p1 $0xFFFFFFFF, s11;
	s17 =	smul.u32 @!p1 $0x380, s10  }
0x23: {  	s31 =	sadd.s32 $0xFFFFFFFF, s11;
	s16 =	sshll.u32 @!p1 s16, $0xD;
	s14 =	ssub.s32 @!p1 s14, s15  }
0x24: {  	s15 =	sand.u32 @!p1 $0x2000, s16;
	s16 =	sadd.s32 @!p1 s6, s17;
	s14 =	sshll.u32 @!p1 s14, $0x4  }
0x25: {  	s17 =	simm.s32 @!p1 $0x1C00;
	s14 =	sadd.s32 @!p1 s14, s16;
	s16 =	simm.s32 @!p1 $0x40  }
0x26: {  	[tilespmem:s15], [sflag:$0x1] =	stream.strided.gather @!p1 [hbm4b:s14+s16], $0x2000, s17, s16, $0x38;
	[tilespmem:$0x8080] =	vst v63  }
0x27: {  	p1 =	sge.u32 s31, s5  }
.Ltmp2:
0x28: {  	_ = 	snop;
	(pc) =	sbr.rel @p1 .LBB1_5-.Ltmp2, $1  }
0x29: {  	_ =	sdelay $0x3  }
0x2a: {  	s14 =	simm.s32 $0x1  }
0x2b: {  	_ =	swait.ge [sflag:s4], $0x2000;
	s14 =	simm.s32 @!p0 $0x0  }
0x2c: {  	[sflag:s4] =	ssyncset.done $0x0;
	s15 =	sshll.u32 s14, $0xD  }
0x2d: {  	[sflag:s4] =	ssyncadd.s32 $0xFFFFE000;
	s18 =	sor.u32 $0x20, s15  }
0x2e: {  	s14 =	smul.u32 $0x8100, s14;
	v3 =	vld [tilespmem:s18+$0x10]  }
0x2f: {  	s30 =	sand.u32 $0x1, s11;
	v2 =	vld [tilespmem:s18+$0xFFFFFFF0]  }
0x30: {  	s15 =	smul.u32 $0x8100, s30;
	s14 =	sshrl.u32 s14, $0x2;
	v0 =	vld [tilespmem:s18+$0x0]  }
0x31: {  	v1 =	vld [tilespmem:s18+$0xFFFFFFE0];
	s16 =	sor.u32 $0x4000, s14  }
0x32: {  	s31 =	sshrl.u32 s15, $0x2;
	s15 =	sadd.s32 $0x0, s16  }
0x33: {  	s17 =	simm.s32 $0x4;
	s18 =	sadd.s32 $0x40, s18;
	s14 =	sor.u32 $0x4000, s31;
	[tilespmem:s15+$0x1830 ss:$0x81] =	vst.msk $0xffff, v3  }
.LBB1_3:
0x34: {  	v3 =	vld [tilespmem:s18+$0x10];
	p1 =	sne.s32 s17, $0x1FC;
	[tilespmem:s15+$0x810 ss:$0x81] =	vst.msk $0xffff, v2;
	s19 =	smov.u32 s17;
	s17 =	sadd.s32 $0x4, s17  }
.Ltmp3:
0x35: {  	v2 =	vld [tilespmem:s18+$0xFFFFFFF0];
	[tilespmem:s15+$0x1020 ss:$0x81] =	vst.msk $0xffff, v0;
	(pc) =	sbr.rel @p1 .LBB1_3-.Ltmp3, $4  }
0x36: {  	v0 =	vld [tilespmem:s18+$0x0];
	[tilespmem:s15+$0x0 ss:$0x81] =	vst.msk $0xffff, v1  }
0x37: {  	s15 =	sshra.s32 s19, $0x2;
	v1 =	vld [tilespmem:s18+$0xFFFFFFE0]  }
0x38: {  	s15 =	sadd.s32 s15, s16  }
0x39: {  	s18 =	sadd.s32 $0x40, s18;
	[tilespmem:s15+$0x1830 ss:$0x81] =	vst.msk $0xffff, v3  }
.Ltmp4:
0x3a: {  	_ = 	snop;
	(pc) =	sbr.rel .LBB1_4-.Ltmp4, $1  }
0x3b: {  	_ =	sdelay $0x3  }
.LBB1_6:
0x3c: {  	_ =	sfence.sel $0x180000  }
0x3d: {  	s2 =	simm.s32 $0x1;
	[bflag:$0x0] =	sbarrier.arrive $0xFFFF  }
0x3e: {  	s31 =	simm.s32 $0x2;
	[sflag:s2] =	ssyncpa.u1 $0x1  }
0x3f: {  	[sflag:s31] =	ssyncpa.u1 $0x1  }
0x40: {  	p0 =	sne.s32 s0, $0x0;
	_ =	strace $0x9000004A  }
0x41: {  	s0 =	sadd.s32 @!p0 $0x100000, s1;
	[bflag:$0x2] =	sbarrier.arrive $0xFFFF  }
0x42: {  	[sflag:s0] =	ssyncadd.tile.s32 @!p0 $0x1;
	_ =	shalt  }
.Lfunc_end1:
_tile_overlayer_lowered:
.L_overlay_start_2:
0x43: {  	(tag) =	ssettag $0x2  }
0x44: {  	s0 =	rddreg [dreg:$0x0];
	s2 =	stileid.u32  }
0x45: {  	s1 =	rddreg [dreg:$0x1];
	p0 =	sne.s32 s2, $0x0  }
0x46: {  	s3 =	rddreg [dreg:$0x2];
	[bflag:$0x3] =	sbarrier.arrive $0xFFFF;
	s2 =	simm.s32 @!p0 $0x1C01  }
0x47: {  	[timem:s3], [sflag:s2] =	dma.local @!p0 [hbm:s0], s1  }
0x48: {  	s0 =	simm.s32 @!p0 $0x1  }
0x49: {  	_ =	swait.ge @!p0 [sflag:s0], s1  }
0x4a: {  	s1 =	ssub.s32 @!p0 $0x0, s1;
	[sflag:s0] =	ssyncset.done @!p0 $0x0  }
0x4b: {  	[sflag:s0] =	ssyncadd.s32 @!p0 s1  }
0x4c: {  	[bflag:$0x3] =	sbarrier.arrive $0xFFFF  }
0x4d: {  	_ =	shalt  }

</sc_bundles>
